<compile_context>
chip_gen: v7x
topology: tpu7x:2x2x1
jax: 0.10.2.dev20260603
libtpu: 0.0.44.dev20260713+nightly
codegen_flags: <defaults>
</compile_context>

<pallas_src>
import functools

import numpy as np
import jax
import jax.numpy as jnp
from jax import lax
from jax.experimental import pallas as pl
from jax.experimental.pallas import tpu as pltpu
import jax.experimental.pallas.tpu_sc as plsc

N_ENT = 10000
EMB = 256
NP = 10240
CHUNK = NP // 16
HALF = 80000
EPT = 5120
NREAL15 = EPT - (16 * EPT - HALF)

_ONES = np.ones((EPT,), np.float32)

_MESH = plsc.VectorSubcoreMesh(
    core_axis_name="c", subcore_axis_name="s", num_cores=2, num_subcores=16)


@functools.partial(
    pl.kernel,
    out_type=jax.ShapeDtypeStruct((8, NP), jnp.float32),
    mesh=_MESH,
    compiler_params=pltpu.CompilerParams(needs_layout_passes=False),
    scratch_types=[
        pltpu.VMEM((EPT,), jnp.int32),
        pltpu.VMEM((EPT,), jnp.int32),
        pltpu.VMEM((EPT,), jnp.float32),
        pltpu.VMEM((CHUNK,), jnp.float32),
        pltpu.VMEM((CHUNK,), jnp.float32),
        pltpu.VMEM_SHARED((NP,), jnp.float32),
        pltpu.VMEM_SHARED((NP,), jnp.float32),
        pltpu.SemaphoreType.DMA,
    ],
)
def _edge_scalars(ei_hbm, ones_hbm, out_hbm,
                  row_v, col_v, val_v, cha, chb, sh_deg, sh_t, sem):
    c = lax.axis_index("c")
    s = lax.axis_index("s")

    dv = pltpu.async_copy(ones_hbm, val_v, sem)

    @pl.when(s < 15)
    def _():
        da = pltpu.async_copy(
            ei_hbm.at[pl.ds(c * HALF + s * EPT, EPT)], row_v, sem)
        db = pltpu.async_copy(
            ei_hbm.at[pl.ds(2 * HALF + c * HALF + s * EPT, EPT)], col_v, sem)
        da.wait()
        db.wait()

    @pl.when(s == 15)
    def _():
        da = pltpu.async_copy(
            ei_hbm.at[pl.ds(c * HALF + 15 * EPT, NREAL15)],
            row_v.at[pl.ds(0, NREAL15)], sem)
        db = pltpu.async_copy(
            ei_hbm.at[pl.ds(2 * HALF + c * HALF + 15 * EPT, NREAL15)],
            col_v.at[pl.ds(0, NREAL15)], sem)
        da.wait()
        db.wait()

    def _zero(i, carry):
        cha[pl.ds(i * 16, 16)] = jnp.zeros((16,), jnp.float32)
        return carry
    lax.fori_loop(0, CHUNK // 16, _zero, 0)


    @pl.when(s == 15)
    def _():
        lanes = lax.iota(jnp.int32, 16)

        def _respread(k, carry):
            pad = N_ENT + ((k * 16 + lanes) % (NP - N_ENT))
            row_v[pl.ds(NREAL15 + k * 16, 16)] = pad
            col_v[pl.ds(NREAL15 + k * 16, 16)] = pad
            return carry
        lax.fori_loop(0, (EPT - NREAL15) // 16, _respread, 0)
    dz1 = pltpu.async_copy(cha, sh_deg.at[pl.ds(s * CHUNK, CHUNK)], sem)
    dz2 = pltpu.async_copy(cha, sh_t.at[pl.ds(s * CHUNK, CHUNK)], sem)
    dz1.wait()
    dz2.wait()
    dv.wait()
    plsc.subcore_barrier()

    pltpu.sync_copy(val_v, sh_deg.at[row_v], add=True)
    plsc.subcore_barrier()

    pltpu.sync_copy(sh_deg.at[pl.ds(s * CHUNK, CHUNK)], cha)

    def _p2(i, carry):
        d = cha[pl.ds(i * 16, 16)]
        c1 = d >= 65536.0
        d1 = jnp.where(c1, d * (1.0 / 65536.0), d)
        r1 = jnp.where(c1, 1.0 / 256.0, 1.0)
        c2 = d1 >= 256.0
        d2 = jnp.where(c2, d1 * (1.0 / 256.0), d1)
        r2 = jnp.where(c2, 1.0 / 16.0, 1.0)
        c3 = d2 >= 16.0
        d3 = jnp.where(c3, d2 * (1.0 / 16.0), d2)
        r3 = jnp.where(c3, 0.25, 1.0)
        y = d3 * 0.25 + 0.97
        y = (y + d3 / y) * 0.5
        y = (y + d3 / y) * 0.5
        y = (y + d3 / y) * 0.5
        y = (y + d3 / y) * 0.5
        dinv = (r1 * r2 * r3) / y
        cha[pl.ds(i * 16, 16)] = jnp.where(d > 0.5, dinv, 0.0)
        return carry
    lax.fori_loop(0, CHUNK // 16, _p2, 0)
    pltpu.sync_copy(cha, sh_deg.at[pl.ds(s * CHUNK, CHUNK)])
    plsc.subcore_barrier()

    pltpu.sync_copy(sh_deg.at[col_v], val_v)
    pltpu.sync_copy(val_v, sh_t.at[row_v], add=True)
    plsc.subcore_barrier()

    da = pltpu.async_copy(sh_deg.at[pl.ds(s * CHUNK, CHUNK)], cha, sem)
    db = pltpu.async_copy(sh_t.at[pl.ds(s * CHUNK, CHUNK)], chb, sem)
    da.wait()
    db.wait()

    def _p4(i, carry):
        cha[pl.ds(i * 16, 16)] = cha[pl.ds(i * 16, 16)] * chb[pl.ds(i * 16, 16)]
        return carry
    lax.fori_loop(0, CHUNK // 16, _p4, 0)
    pltpu.sync_copy(cha, out_hbm.at[c, pl.ds(s * CHUNK, CHUNK)])


BM = 2000
NB = N_ENT // BM


def _fused_body(x_ref, win_ref, wout_ref, wloop_ref, s_ref,
                g_ref, b_ref, o_ref, pre_scr, scol_scr, acc_scr, stat_scr):
    p = pl.program_id(0)
    j = pl.program_id(1)

    @pl.when(p == 0)
    def _():
        @pl.when(j == 0)
        def _():
            scol_scr[...] = jnp.swapaxes(s_ref[...], 0, 1)
            acc_scr[...] = jnp.zeros_like(acc_scr)

        x = x_ref[...]
        scol = scol_scr[pl.ds(j * BM, BM), :]
        pre = (jnp.dot(x, win_ref[...]) * scol[:, 0:1]
               + jnp.dot(x, wout_ref[...]) * scol[:, 1:2]
               + jnp.dot(x, wloop_ref[...])) * (1.0 / 3.0)
        pre_scr[pl.ds(j * BM, BM), :] = pre

        acc_scr[0:1, :] += jnp.sum(pre, axis=0, keepdims=True)
        acc_scr[1:2, :] += jnp.sum(pre * pre, axis=0, keepdims=True)

        @pl.when(j == NB - 1)
        def _():
            mean = acc_scr[0:1, :] * (1.0 / N_ENT)
            var = acc_scr[1:2, :] * (1.0 / N_ENT) - mean * mean
            a = lax.rsqrt(var + 1e-5) * g_ref[...]
            stat_scr[0:1, :] = a
            stat_scr[1:2, :] = b_ref[...] - mean * a

    @pl.when(p == 1)
    def _():
        pre = pre_scr[pl.ds(j * BM, BM), :]
        o_ref[...] = jnp.tanh(pre * stat_scr[0:1, :] + stat_scr[1:2, :])


_fused = pl.pallas_call(
    _fused_body,
    grid=(2, NB),
    in_specs=[
        pl.BlockSpec((BM, EMB), lambda p, j: ((1 - p) * j, 0)),
        pl.BlockSpec((EMB, EMB), lambda p, j: (0, 0)),
        pl.BlockSpec((EMB, EMB), lambda p, j: (0, 0)),
        pl.BlockSpec((EMB, EMB), lambda p, j: (0, 0)),
        pl.BlockSpec((8, NP), lambda p, j: (0, 0)),
        pl.BlockSpec((1, EMB), lambda p, j: (0, 0)),
        pl.BlockSpec((1, EMB), lambda p, j: (0, 0)),
    ],
    out_specs=pl.BlockSpec((BM, EMB), lambda p, j: (p * j, 0)),
    out_shape=jax.ShapeDtypeStruct((N_ENT, EMB), jnp.float32),
    scratch_shapes=[
        pltpu.VMEM((N_ENT, EMB), jnp.float32),
        pltpu.VMEM((NP, 8), jnp.float32),
        pltpu.VMEM((2, EMB), jnp.float32),
        pltpu.VMEM((2, EMB), jnp.float32),
    ],
)


def kernel(x, rel_embed, edge_index, edge_type, w_in, w_out, w_loop,
           gamma, beta):
    s_all = _edge_scalars(edge_index.reshape(4 * HALF), jnp.asarray(_ONES))
    res = _fused(x, w_in, w_out, w_loop, s_all,
                 gamma.reshape(1, EMB), beta.reshape(1, EMB))
    return (res, rel_embed)

# --- scband reference (transcript-rebuilt; emitter-appended) ---
"""Pipeline reference for scband-argcn-56487409877773 (READ-ONLY COPY).

The authoritative reference and input builder live on the scoring server;
editing this copy changes nothing except your own understanding.
"""

import jax, jax.numpy as jnp
import numpy as np

NUM_ENT = 10000
NUM_REL = 200
EMB = 256
E = 160000


def setup_inputs(seed: int = 0) -> dict:
    key = jax.random.key(seed)
    ks = jax.random.split(key, 9)
    x = jax.random.normal(ks[0], (NUM_ENT, EMB), dtype=jnp.float32)
    rel_embed = jax.random.normal(ks[1], (NUM_REL, EMB), dtype=jnp.float32)
    edge_index = jax.random.randint(ks[2], (2, E), 0, NUM_ENT)
    edge_type = jax.random.randint(ks[3], (E,), 0, NUM_REL)
    scale = 1.0 / np.sqrt(EMB)
    w_in = jax.random.normal(ks[4], (EMB, EMB), dtype=jnp.float32) * scale
    w_out = jax.random.normal(ks[5], (EMB, EMB), dtype=jnp.float32) * scale
    w_loop = jax.random.normal(ks[6], (EMB, EMB), dtype=jnp.float32) * scale
    gamma = jnp.ones((EMB,), dtype=jnp.float32)
    beta = jnp.zeros((EMB,), dtype=jnp.float32)
    return {"x": x, "rel_embed": rel_embed, "edge_index": edge_index,
            "edge_type": edge_type, "w_in": w_in, "w_out": w_out,
            "w_loop": w_loop, "gamma": gamma, "beta": beta}


def _compute_norm(edge_index, num_ent):
    row, col = edge_index[0], edge_index[1]
    edge_weight = jnp.ones_like(row, dtype=jnp.float32)
    deg = jax.ops.segment_sum(edge_weight, row, num_segments=num_ent)
    deg_inv = jnp.power(deg, -0.5)
    deg_inv = jnp.where(jnp.isinf(deg_inv), 0.0, deg_inv)
    norm = deg_inv[row] * edge_weight * deg_inv[col]
    return norm


def reference(x, rel_embed, edge_index, edge_type, w_in, w_out, w_loop, gamma, beta):
    num_ent = x.shape[0]
    edge_size = edge_index.shape[1] // 2
    # self-loop branch (index_select with arange is identity gather)
    neighs_loop = jnp.dot(x, w_loop)
    # symmetric normalization per direction
    edge_norm_in = _compute_norm(edge_index[:, :edge_size], num_ent)
    edge_norm_out = _compute_norm(edge_index[:, edge_size:], num_ent)
    # gather source features for all edges
    neighs = jnp.take(x, edge_index[0], axis=0)
    neighs_in = jnp.dot(neighs[:edge_size], w_in)
    neighs_out = jnp.dot(neighs[edge_size:], w_out)
    # relation embedding gather (present in the original forward)
    rel_embed_sel = jnp.take(rel_embed, edge_type, axis=0)
    _ = rel_embed_sel
    # ent_agg == 'sum' ; dropouts are identity in eval mode
    res_in = jax.ops.segment_sum(neighs_in * edge_norm_in[:, None],
                                 edge_index[0][:edge_size], num_segments=num_ent)
    res_out = jax.ops.segment_sum(neighs_out * edge_norm_out[:, None],
                                  edge_index[0][edge_size:], num_segments=num_ent)
    res_loop = neighs_loop  # scatter_sum with identity index
    pre = (res_in + res_out + res_loop) / 3.0
    # BatchNorm1d (training-style batch statistics, biased variance, eps=1e-5)
    mean = jnp.mean(pre, axis=0)
    var = jnp.mean((pre - mean) ** 2, axis=0)
    bn = (pre - mean) / jnp.sqrt(var + 1e-5) * gamma + beta
    res = jnp.tanh(bn)
    return (res, rel_embed)

if __name__ == "__main__":
    import jax
    _d = setup_inputs()
    print(jax.jit(kernel)(*tuple(_d.values())))

</pallas_src>

<mosaic_0001>
#map = affine_map<(d0, d1) -> (0)>
#map1 = affine_map<(d0, d1) -> (0, 0)>
module attributes {stable_mosaic.version = 14 : i64} {
  func.func @_edge_scalars(%arg0: i32, %arg1: i32, %arg2: memref<320000xi32, #tpu.memory_space<hbm>>, %arg3: memref<5120xf32, #tpu.memory_space<hbm>>, %arg4: memref<8x10240xf32, #tpu.memory_space<hbm>>, %arg5: memref<5120xi32, #tpu.memory_space<vmem>>, %arg6: memref<5120xi32, #tpu.memory_space<vmem>>, %arg7: memref<5120xf32, #tpu.memory_space<vmem>>, %arg8: memref<640xf32, #tpu.memory_space<vmem>>, %arg9: memref<640xf32, #tpu.memory_space<vmem>>, %arg10: memref<10240xf32, #tpu.memory_space<vmem_shared>>, %arg11: memref<10240xf32, #tpu.memory_space<vmem_shared>>, %arg12: memref<!tpu.dma_semaphore, #tpu.memory_space<semaphore_mem>>) attributes {dimension_semantics = [#tpu.dimension_semantics<core_parallel>, #tpu.dimension_semantics<subcore_parallel>], iteration_bounds = array<i64: 2, 16>, scalar_prefetch = 0 : i64, scratch_operands = 8 : i64, tpu.core_type = #tpu.core_type<sc_vector_subcore>, window_params = [{transform_indices = #map}, {transform_indices = #map}, {transform_indices = #map1}]} {
    tpu.enqueue_dma source(%arg3 : memref<5120xf32, #tpu.memory_space<hbm>>) target(%arg7 : memref<5120xf32, #tpu.memory_space<vmem>>) target_semaphore(%arg12 : memref<!tpu.dma_semaphore, #tpu.memory_space<semaphore_mem>>)
    %lt3A = arith.constant 15 : i32
    %lt3A_0 = arith.cmpi slt, %arg1, %lt3A : i32
    %convert_element_type3A = arith.extui %lt3A_0 : i1 to i32
    %cond3A = arith.constant 0 : i32
    %cond3A_1 = arith.cmpi ne, %convert_element_type3A, %cond3A : i32
    scf.if %cond3A_1 {
      %mul3A_58 = arith.constant 80000 : i32
      %mul3A_59 = arith.muli %arg0, %mul3A_58 : i32
      %mul3A_60 = arith.constant 5120 : i32
      %mul3A_61 = arith.muli %arg1, %mul3A_60 : i32
      %add3A = arith.addi %mul3A_59, %mul3A_61 : i32
      %dma_start3A_62 = tpu.memref_slice %arg2[%add3A] : memref<320000xi32, #tpu.memory_space<hbm>> -> memref<5120xi32, #tpu.memory_space<hbm>>
      %dma_start3A_63 = tpu.memref_slice %arg2[%add3A] : memref<320000xi32, #tpu.memory_space<hbm>> -> memref<5120xi32, #tpu.memory_space<hbm>>
      tpu.enqueue_dma source(%dma_start3A_63 : memref<5120xi32, #tpu.memory_space<hbm>>) target(%arg5 : memref<5120xi32, #tpu.memory_space<vmem>>) target_semaphore(%arg12 : memref<!tpu.dma_semaphore, #tpu.memory_space<semaphore_mem>>)
      %mul3A_64 = arith.constant 80000 : i32
      %mul3A_65 = arith.muli %arg0, %mul3A_64 : i32
      %add3A_66 = arith.constant 160000 : i32
      %add3A_67 = arith.addi %add3A_66, %mul3A_65 : i32
      %mul3A_68 = arith.constant 5120 : i32
      %mul3A_69 = arith.muli %arg1, %mul3A_68 : i32
      %add3A_70 = arith.addi %add3A_67, %mul3A_69 : i32
      %dma_start3A_71 = tpu.memref_slice %arg2[%add3A_70] : memref<320000xi32, #tpu.memory_space<hbm>> -> memref<5120xi32, #tpu.memory_space<hbm>>
      %dma_start3A_72 = tpu.memref_slice %arg2[%add3A_70] : memref<320000xi32, #tpu.memory_space<hbm>> -> memref<5120xi32, #tpu.memory_space<hbm>>
      tpu.enqueue_dma source(%dma_start3A_72 : memref<5120xi32, #tpu.memory_space<hbm>>) target(%arg6 : memref<5120xi32, #tpu.memory_space<vmem>>) target_semaphore(%arg12 : memref<!tpu.dma_semaphore, #tpu.memory_space<semaphore_mem>>)
      %dma_wait3A_73 = tpu.memref_slice %arg2[%add3A] : memref<320000xi32, #tpu.memory_space<hbm>> -> memref<5120xi32, #tpu.memory_space<hbm>>
      %dma_wait3A_74 = tpu.memref_slice %arg2[%add3A] : memref<320000xi32, #tpu.memory_space<hbm>> -> memref<5120xi32, #tpu.memory_space<hbm>>
      tpu.wait_dma2 semaphore(%arg12 : memref<!tpu.dma_semaphore, #tpu.memory_space<semaphore_mem>>) src(%dma_wait3A_74 : memref<5120xi32, #tpu.memory_space<hbm>>) dst(%arg5 : memref<5120xi32, #tpu.memory_space<vmem>>)
      %dma_wait3A_75 = tpu.memref_slice %arg2[%add3A_70] : memref<320000xi32, #tpu.memory_space<hbm>> -> memref<5120xi32, #tpu.memory_space<hbm>>
      %dma_wait3A_76 = tpu.memref_slice %arg2[%add3A_70] : memref<320000xi32, #tpu.memory_space<hbm>> -> memref<5120xi32, #tpu.memory_space<hbm>>
      tpu.wait_dma2 semaphore(%arg12 : memref<!tpu.dma_semaphore, #tpu.memory_space<semaphore_mem>>) src(%dma_wait3A_76 : memref<5120xi32, #tpu.memory_space<hbm>>) dst(%arg6 : memref<5120xi32, #tpu.memory_space<vmem>>)
    } else {
    }
    %eq3A = arith.constant 15 : i32
    %eq3A_2 = arith.cmpi eq, %arg1, %eq3A : i32
    %convert_element_type3A_3 = arith.extui %eq3A_2 : i1 to i32
    %cond3A_4 = arith.constant 0 : i32
    %cond3A_5 = arith.cmpi ne, %convert_element_type3A_3, %cond3A_4 : i32
    scf.if %cond3A_5 {
      %mul3A_58 = arith.constant 80000 : i32
      %mul3A_59 = arith.muli %arg0, %mul3A_58 : i32
      %add3A = arith.constant 76800 : i32
      %add3A_60 = arith.addi %mul3A_59, %add3A : i32
      %dma_start3A_61 = arith.constant 0 : i32
      %dma_start3A_62 = tpu.memref_slice %arg5[%dma_start3A_61] : memref<5120xi32, #tpu.memory_space<vmem>> -> memref<3200xi32, #tpu.memory_space<vmem>>
      %dma_start3A_63 = tpu.memref_slice %arg2[%add3A_60] : memref<320000xi32, #tpu.memory_space<hbm>> -> memref<3200xi32, #tpu.memory_space<hbm>>
      %dma_start3A_64 = arith.constant 0 : i32
      %dma_start3A_65 = tpu.memref_slice %arg5[%dma_start3A_64] : memref<5120xi32, #tpu.memory_space<vmem>> -> memref<3200xi32, #tpu.memory_space<vmem>>
      %dma_start3A_66 = tpu.memref_slice %arg2[%add3A_60] : memref<320000xi32, #tpu.memory_space<hbm>> -> memref<3200xi32, #tpu.memory_space<hbm>>
      tpu.enqueue_dma source(%dma_start3A_66 : memref<3200xi32, #tpu.memory_space<hbm>>) target(%dma_start3A_65 : memref<3200xi32, #tpu.memory_space<vmem>>) target_semaphore(%arg12 : memref<!tpu.dma_semaphore, #tpu.memory_space<semaphore_mem>>)
      %mul3A_67 = arith.constant 80000 : i32
      %mul3A_68 = arith.muli %arg0, %mul3A_67 : i32
      %add3A_69 = arith.constant 160000 : i32
      %add3A_70 = arith.addi %add3A_69, %mul3A_68 : i32
      %add3A_71 = arith.constant 76800 : i32
      %add3A_72 = arith.addi %add3A_70, %add3A_71 : i32
      %dma_start3A_73 = arith.constant 0 : i32
      %dma_start3A_74 = tpu.memref_slice %arg6[%dma_start3A_73] : memref<5120xi32, #tpu.memory_space<vmem>> -> memref<3200xi32, #tpu.memory_space<vmem>>
      %dma_start3A_75 = tpu.memref_slice %arg2[%add3A_72] : memref<320000xi32, #tpu.memory_space<hbm>> -> memref<3200xi32, #tpu.memory_space<hbm>>
      %dma_start3A_76 = arith.constant 0 : i32
      %dma_start3A_77 = tpu.memref_slice %arg6[%dma_start3A_76] : memref<5120xi32, #tpu.memory_space<vmem>> -> memref<3200xi32, #tpu.memory_space<vmem>>
      %dma_start3A_78 = tpu.memref_slice %arg2[%add3A_72] : memref<320000xi32, #tpu.memory_space<hbm>> -> memref<3200xi32, #tpu.memory_space<hbm>>
      tpu.enqueue_dma source(%dma_start3A_78 : memref<3200xi32, #tpu.memory_space<hbm>>) target(%dma_start3A_77 : memref<3200xi32, #tpu.memory_space<vmem>>) target_semaphore(%arg12 : memref<!tpu.dma_semaphore, #tpu.memory_space<semaphore_mem>>)
      %dma_wait3A_79 = arith.constant 0 : i32
      %dma_wait3A_80 = tpu.memref_slice %arg5[%dma_wait3A_79] : memref<5120xi32, #tpu.memory_space<vmem>> -> memref<3200xi32, #tpu.memory_space<vmem>>
      %dma_wait3A_81 = tpu.memref_slice %arg2[%add3A_60] : memref<320000xi32, #tpu.memory_space<hbm>> -> memref<3200xi32, #tpu.memory_space<hbm>>
      %dma_wait3A_82 = arith.constant 0 : i32
      %dma_wait3A_83 = tpu.memref_slice %arg5[%dma_wait3A_82] : memref<5120xi32, #tpu.memory_space<vmem>> -> memref<3200xi32, #tpu.memory_space<vmem>>
      %dma_wait3A_84 = tpu.memref_slice %arg2[%add3A_60] : memref<320000xi32, #tpu.memory_space<hbm>> -> memref<3200xi32, #tpu.memory_space<hbm>>
      tpu.wait_dma2 semaphore(%arg12 : memref<!tpu.dma_semaphore, #tpu.memory_space<semaphore_mem>>) src(%dma_wait3A_84 : memref<3200xi32, #tpu.memory_space<hbm>>) dst(%dma_wait3A_83 : memref<3200xi32, #tpu.memory_space<vmem>>)
      %dma_wait3A_85 = arith.constant 0 : i32
      %dma_wait3A_86 = tpu.memref_slice %arg6[%dma_wait3A_85] : memref<5120xi32, #tpu.memory_space<vmem>> -> memref<3200xi32, #tpu.memory_space<vmem>>
      %dma_wait3A_87 = tpu.memref_slice %arg2[%add3A_72] : memref<320000xi32, #tpu.memory_space<hbm>> -> memref<3200xi32, #tpu.memory_space<hbm>>
      %dma_wait3A_88 = arith.constant 0 : i32
      %dma_wait3A_89 = tpu.memref_slice %arg6[%dma_wait3A_88] : memref<5120xi32, #tpu.memory_space<vmem>> -> memref<3200xi32, #tpu.memory_space<vmem>>
      %dma_wait3A_90 = tpu.memref_slice %arg2[%add3A_72] : memref<320000xi32, #tpu.memory_space<hbm>> -> memref<3200xi32, #tpu.memory_space<hbm>>
      tpu.wait_dma2 semaphore(%arg12 : memref<!tpu.dma_semaphore, #tpu.memory_space<semaphore_mem>>) src(%dma_wait3A_90 : memref<3200xi32, #tpu.memory_space<hbm>>) dst(%dma_wait3A_89 : memref<3200xi32, #tpu.memory_space<vmem>>)
    } else {
    }
    %scan3A = arith.constant 0 : i32
    %scan3A_6 = arith.constant 0 : i32
    %scan3A_7 = arith.constant 40 : i32
    %scan3A_8 = arith.addi %scan3A_6, %scan3A_7 : i32
    %scan3A_9 = arith.constant 1 : i32
    scf.for %scan3A_58 = %scan3A_6 to %scan3A_8 step %scan3A_9  : i32 {
      %broadcast_in_dim3A = arith.constant 0.000000e+00 : f32
      %broadcast_in_dim3A_59 = vector.broadcast %broadcast_in_dim3A : f32 to vector<16xf32>
      %mul3A_60 = arith.constant 16 : i32
      %mul3A_61 = arith.muli %scan3A_58, %mul3A_60 : i32
      %swap3A = arith.index_cast %mul3A_61 : i32 to index
      %swap3A_62 = tpu.vector_load %arg8[%swap3A] {strides = array<i32>} : memref<640xf32, #tpu.memory_space<vmem>>, vector<16xf32>,
      tpu.vector_store %arg8[%swap3A], %broadcast_in_dim3A_59 {strides = array<i32>} : memref<640xf32, #tpu.memory_space<vmem>>, vector<16xf32>,
    }
    %scan3A_10 = arith.constant 40 : i32
    %eq3A_11 = arith.constant 15 : i32
    %eq3A_12 = arith.cmpi eq, %arg1, %eq3A_11 : i32
    %convert_element_type3A_13 = arith.extui %eq3A_12 : i1 to i32
    %cond3A_14 = arith.constant 0 : i32
    %cond3A_15 = arith.cmpi ne, %convert_element_type3A_13, %cond3A_14 : i32
    scf.if %cond3A_15 {
      %iota3A = tpu.iota {dimensions = array<i32: 0>} : vector<16xi32>
      %scan3A_58 = arith.constant 0 : i32
      %scan3A_59 = arith.constant 0 : i32
      %scan3A_60 = arith.constant 120 : i32
      %scan3A_61 = arith.addi %scan3A_59, %scan3A_60 : i32
      %scan3A_62 = arith.constant 1 : i32
      scf.for %scan3A_64 = %scan3A_59 to %scan3A_61 step %scan3A_62  : i32 {
        %mul3A_65 = arith.constant 16 : i32
        %mul3A_66 = arith.muli %scan3A_64, %mul3A_65 : i32
        %add3A = vector.broadcast %mul3A_66 : i32 to vector<16xi32>
        %add3A_67 = arith.addi %add3A, %iota3A : vector<16xi32>
        %jit3A = arith.constant 240 : i32
        %eq3A_68 = arith.constant 0 : i32
        %eq3A_69 = arith.cmpi eq, %jit3A, %eq3A_68 : i32
        %jit3A_70 = arith.constant 1 : i32
        %select_n3A = arith.select %eq3A_69, %jit3A_70, %jit3A : i32
        %rem3A = vector.broadcast %select_n3A : i32 to vector<16xi32>
        %rem3A_71 = arith.remsi %add3A_67, %rem3A : vector<16xi32>
        %ne3A = arith.constant 0 : i32
        %ne3A_72 = vector.broadcast %ne3A : i32 to vector<16xi32>
        %ne3A_73 = arith.cmpi ne, %rem3A_71, %ne3A_72 : vector<16xi32>
        %lt3A_74 = arith.constant 0 : i32
        %lt3A_75 = vector.broadcast %lt3A_74 : i32 to vector<16xi32>
        %lt3A_76 = arith.cmpi slt, %rem3A_71, %lt3A_75 : vector<16xi32>
        %lt3A_77 = arith.constant 0 : i32
        %lt3A_78 = arith.cmpi slt, %select_n3A, %lt3A_77 : i32
        %ne3A_79 = vector.broadcast %lt3A_78 : i1 to vector<16xi1>
        %ne3A_80 = vector.broadcast %ne3A_79 : vector<16xi1> to vector<16xi1>
        %ne3A_81 = arith.xori %lt3A_76, %ne3A_80 : vector<16xi1>
        %and3A = arith.andi %ne3A_81, %ne3A_73 : vector<16xi1>
        %add3A_82 = vector.broadcast %select_n3A : i32 to vector<16xi32>
        %add3A_83 = arith.addi %rem3A_71, %add3A_82 : vector<16xi32>
        %select_n3A_84 = arith.select %and3A, %add3A_83, %rem3A_71 : vector<16xi1>, vector<16xi32>
        %add3A_85 = arith.constant 10000 : i32
        %add3A_86 = vector.broadcast %add3A_85 : i32 to vector<16xi32>
        %add3A_87 = arith.addi %add3A_86, %select_n3A_84 : vector<16xi32>
        %mul3A_88 = arith.constant 16 : i32
        %mul3A_89 = arith.muli %scan3A_64, %mul3A_88 : i32
        %add3A_90 = arith.constant 3200 : i32
        %add3A_91 = arith.addi %add3A_90, %mul3A_89 : i32
        %swap3A = arith.index_cast %add3A_91 : i32 to index
        %swap3A_92 = tpu.vector_load %arg5[%swap3A] {strides = array<i32>} : memref<5120xi32, #tpu.memory_space<vmem>>, vector<16xi32>,
        tpu.vector_store %arg5[%swap3A], %add3A_87 {strides = array<i32>} : memref<5120xi32, #tpu.memory_space<vmem>>, vector<16xi32>,
        %mul3A_93 = arith.constant 16 : i32
        %mul3A_94 = arith.muli %scan3A_64, %mul3A_93 : i32
        %add3A_95 = arith.constant 3200 : i32
        %add3A_96 = arith.addi %add3A_95, %mul3A_94 : i32
        %swap3A_97 = arith.index_cast %add3A_96 : i32 to index
        %swap3A_98 = tpu.vector_load %arg6[%swap3A_97] {strides = array<i32>} : memref<5120xi32, #tpu.memory_space<vmem>>, vector<16xi32>,
        tpu.vector_store %arg6[%swap3A_97], %add3A_87 {strides = array<i32>} : memref<5120xi32, #tpu.memory_space<vmem>>, vector<16xi32>,
      }
      %scan3A_63 = arith.constant 120 : i32
    } else {
    }
    %mul3A = arith.constant 640 : i32
    %mul3A_16 = arith.muli %arg1, %mul3A : i32
    %dma_start3A = tpu.memref_slice %arg10[%mul3A_16] : memref<10240xf32, #tpu.memory_space<vmem_shared>> -> memref<640xf32, #tpu.memory_space<vmem_shared>>
    %dma_start3A_17 = tpu.memref_slice %arg10[%mul3A_16] : memref<10240xf32, #tpu.memory_space<vmem_shared>> -> memref<640xf32, #tpu.memory_space<vmem_shared>>
    tpu.enqueue_dma source(%arg8 : memref<640xf32, #tpu.memory_space<vmem>>) target(%dma_start3A_17 : memref<640xf32, #tpu.memory_space<vmem_shared>>) target_semaphore(%arg12 : memref<!tpu.dma_semaphore, #tpu.memory_space<semaphore_mem>>)
    %mul3A_18 = arith.constant 640 : i32
    %mul3A_19 = arith.muli %arg1, %mul3A_18 : i32
    %dma_start3A_20 = tpu.memref_slice %arg11[%mul3A_19] : memref<10240xf32, #tpu.memory_space<vmem_shared>> -> memref<640xf32, #tpu.memory_space<vmem_shared>>
    %dma_start3A_21 = tpu.memref_slice %arg11[%mul3A_19] : memref<10240xf32, #tpu.memory_space<vmem_shared>> -> memref<640xf32, #tpu.memory_space<vmem_shared>>
    tpu.enqueue_dma source(%arg8 : memref<640xf32, #tpu.memory_space<vmem>>) target(%dma_start3A_21 : memref<640xf32, #tpu.memory_space<vmem_shared>>) target_semaphore(%arg12 : memref<!tpu.dma_semaphore, #tpu.memory_space<semaphore_mem>>)
    %dma_wait3A = tpu.memref_slice %arg10[%mul3A_16] : memref<10240xf32, #tpu.memory_space<vmem_shared>> -> memref<640xf32, #tpu.memory_space<vmem_shared>>
    %dma_wait3A_22 = tpu.memref_slice %arg10[%mul3A_16] : memref<10240xf32, #tpu.memory_space<vmem_shared>> -> memref<640xf32, #tpu.memory_space<vmem_shared>>
    tpu.wait_dma2 semaphore(%arg12 : memref<!tpu.dma_semaphore, #tpu.memory_space<semaphore_mem>>) src(%arg8 : memref<640xf32, #tpu.memory_space<vmem>>) dst(%dma_wait3A_22 : memref<640xf32, #tpu.memory_space<vmem_shared>>)
    %dma_wait3A_23 = tpu.memref_slice %arg11[%mul3A_19] : memref<10240xf32, #tpu.memory_space<vmem_shared>> -> memref<640xf32, #tpu.memory_space<vmem_shared>>
    %dma_wait3A_24 = tpu.memref_slice %arg11[%mul3A_19] : memref<10240xf32, #tpu.memory_space<vmem_shared>> -> memref<640xf32, #tpu.memory_space<vmem_shared>>
    tpu.wait_dma2 semaphore(%arg12 : memref<!tpu.dma_semaphore, #tpu.memory_space<semaphore_mem>>) src(%arg8 : memref<640xf32, #tpu.memory_space<vmem>>) dst(%dma_wait3A_24 : memref<640xf32, #tpu.memory_space<vmem_shared>>)
    tpu.wait_dma2 semaphore(%arg12 : memref<!tpu.dma_semaphore, #tpu.memory_space<semaphore_mem>>) src(%arg3 : memref<5120xf32, #tpu.memory_space<hbm>>) dst(%arg7 : memref<5120xf32, #tpu.memory_space<vmem>>)
    %barrier3A = arith.constant 0 : index
    tpu.barrier barrier_id(%barrier3A)
    "tpu.region"() ({
      %run_scoped3A = tpu.sem_alloc : memref<!tpu.dma_semaphore, #tpu.memory_space<semaphore_mem>>
      %dma_start3A_58 = arith.constant 0 : i32
      %dma_start3A_59 = tpu.memref_slice %arg10[%dma_start3A_58] : memref<10240xf32, #tpu.memory_space<vmem_shared>> -> memref<10240xf32, #tpu.memory_space<vmem_shared>>
      tpu.enqueue_indirect_dma source(%arg7 : memref<5120xf32, #tpu.memory_space<vmem>>) target(%dma_start3A_59 : memref<10240xf32, #tpu.memory_space<vmem_shared>>) offsets(%arg5 : memref<5120xi32, #tpu.memory_space<vmem>>) semaphore(%run_scoped3A : memref<!tpu.dma_semaphore, #tpu.memory_space<semaphore_mem>>) {add = true}
      %dma_wait3A_60 = arith.constant 0 : i32
      %dma_wait3A_61 = tpu.memref_slice %arg10[%dma_wait3A_60] : memref<10240xf32, #tpu.memory_space<vmem_shared>> -> memref<10240xf32, #tpu.memory_space<vmem_shared>>
      tpu.wait_indirect_dma semaphore(%run_scoped3A : memref<!tpu.dma_semaphore, #tpu.memory_space<semaphore_mem>>) src(%arg7 : memref<5120xf32, #tpu.memory_space<vmem>>) dst(%dma_wait3A_61 : memref<10240xf32, #tpu.memory_space<vmem_shared>>)
      tpu.yield
    }) : () -> ()
    %barrier3A_25 = arith.constant 0 : index
    tpu.barrier barrier_id(%barrier3A_25)
    %mul3A_26 = arith.constant 640 : i32
    %mul3A_27 = arith.muli %arg1, %mul3A_26 : i32
    "tpu.region"() ({
      %run_scoped3A = tpu.sem_alloc : memref<!tpu.dma_semaphore, #tpu.memory_space<semaphore_mem>>
      %dma_start3A_58 = tpu.memref_slice %arg10[%mul3A_27] : memref<10240xf32, #tpu.memory_space<vmem_shared>> -> memref<640xf32, #tpu.memory_space<vmem_shared>>
      %dma_start3A_59 = tpu.memref_slice %arg10[%mul3A_27] : memref<10240xf32, #tpu.memory_space<vmem_shared>> -> memref<640xf32, #tpu.memory_space<vmem_shared>>
      tpu.enqueue_dma source(%dma_start3A_59 : memref<640xf32, #tpu.memory_space<vmem_shared>>) target(%arg8 : memref<640xf32, #tpu.memory_space<vmem>>) target_semaphore(%run_scoped3A : memref<!tpu.dma_semaphore, #tpu.memory_space<semaphore_mem>>)
      %dma_wait3A_60 = tpu.memref_slice %arg10[%mul3A_27] : memref<10240xf32, #tpu.memory_space<vmem_shared>> -> memref<640xf32, #tpu.memory_space<vmem_shared>>
      %dma_wait3A_61 = tpu.memref_slice %arg10[%mul3A_27] : memref<10240xf32, #tpu.memory_space<vmem_shared>> -> memref<640xf32, #tpu.memory_space<vmem_shared>>
      tpu.wait_dma2 semaphore(%run_scoped3A : memref<!tpu.dma_semaphore, #tpu.memory_space<semaphore_mem>>) src(%dma_wait3A_61 : memref<640xf32, #tpu.memory_space<vmem_shared>>) dst(%arg8 : memref<640xf32, #tpu.memory_space<vmem>>)
      tpu.yield
    }) : () -> ()
    %scan3A_28 = arith.constant 0 : i32
    %scan3A_29 = arith.constant 0 : i32
    %scan3A_30 = arith.constant 40 : i32
    %scan3A_31 = arith.addi %scan3A_29, %scan3A_30 : i32
    %scan3A_32 = arith.constant 1 : i32
    scf.for %scan3A_58 = %scan3A_29 to %scan3A_31 step %scan3A_32  : i32 {
      %mul3A_59 = arith.constant 16 : i32
      %mul3A_60 = arith.muli %scan3A_58, %mul3A_59 : i32
      %get3A = arith.index_cast %mul3A_60 : i32 to index
      %get3A_61 = tpu.vector_load %arg8[%get3A] {strides = array<i32>} : memref<640xf32, #tpu.memory_space<vmem>>, vector<16xf32>,
      %ge3A = arith.constant 6.553600e+04 : f32
      %ge3A_62 = vector.broadcast %ge3A : f32 to vector<16xf32>
      %ge3A_63 = arith.cmpf oge, %get3A_61, %ge3A_62 : vector<16xf32>
      %mul3A_64 = arith.constant 1.52587891E-5 : f32
      %mul3A_65 = vector.broadcast %mul3A_64 : f32 to vector<16xf32>
      %mul3A_66 = arith.mulf %get3A_61, %mul3A_65 : vector<16xf32>
      %select_n3A = arith.select %ge3A_63, %mul3A_66, %get3A_61 : vector<16xi1>, vector<16xf32>
      %jit3A = arith.constant 3.906250e-03 : f32
      %jit3A_67 = arith.constant 1.000000e+00 : f32
      %broadcast_in_dim3A = vector.broadcast %jit3A : f32 to vector<16xf32>
      %broadcast_in_dim3A_68 = vector.broadcast %jit3A_67 : f32 to vector<16xf32>
      %select_n3A_69 = arith.select %ge3A_63, %broadcast_in_dim3A, %broadcast_in_dim3A_68 : vector<16xi1>, vector<16xf32>
      %ge3A_70 = arith.constant 2.560000e+02 : f32
      %ge3A_71 = vector.broadcast %ge3A_70 : f32 to vector<16xf32>
      %ge3A_72 = arith.cmpf oge, %select_n3A, %ge3A_71 : vector<16xf32>
      %mul3A_73 = arith.constant 3.906250e-03 : f32
      %mul3A_74 = vector.broadcast %mul3A_73 : f32 to vector<16xf32>
      %mul3A_75 = arith.mulf %select_n3A, %mul3A_74 : vector<16xf32>
      %select_n3A_76 = arith.select %ge3A_72, %mul3A_75, %select_n3A : vector<16xi1>, vector<16xf32>
      %jit3A_77 = arith.constant 6.250000e-02 : f32
      %jit3A_78 = arith.constant 1.000000e+00 : f32
      %broadcast_in_dim3A_79 = vector.broadcast %jit3A_77 : f32 to vector<16xf32>
      %broadcast_in_dim3A_80 = vector.broadcast %jit3A_78 : f32 to vector<16xf32>
      %select_n3A_81 = arith.select %ge3A_72, %broadcast_in_dim3A_79, %broadcast_in_dim3A_80 : vector<16xi1>, vector<16xf32>
      %ge3A_82 = arith.constant 1.600000e+01 : f32
      %ge3A_83 = vector.broadcast %ge3A_82 : f32 to vector<16xf32>
      %ge3A_84 = arith.cmpf oge, %select_n3A_76, %ge3A_83 : vector<16xf32>
      %mul3A_85 = arith.constant 6.250000e-02 : f32
      %mul3A_86 = vector.broadcast %mul3A_85 : f32 to vector<16xf32>
      %mul3A_87 = arith.mulf %select_n3A_76, %mul3A_86 : vector<16xf32>
      %select_n3A_88 = arith.select %ge3A_84, %mul3A_87, %select_n3A_76 : vector<16xi1>, vector<16xf32>
      %jit3A_89 = arith.constant 2.500000e-01 : f32
      %jit3A_90 = arith.constant 1.000000e+00 : f32
      %broadcast_in_dim3A_91 = vector.broadcast %jit3A_89 : f32 to vector<16xf32>
      %broadcast_in_dim3A_92 = vector.broadcast %jit3A_90 : f32 to vector<16xf32>
      %select_n3A_93 = arith.select %ge3A_84, %broadcast_in_dim3A_91, %broadcast_in_dim3A_92 : vector<16xi1>, vector<16xf32>
      %mul3A_94 = arith.constant 2.500000e-01 : f32
      %mul3A_95 = vector.broadcast %mul3A_94 : f32 to vector<16xf32>
      %mul3A_96 = arith.mulf %select_n3A_88, %mul3A_95 : vector<16xf32>
      %add3A = arith.constant 9.700000e-01 : f32
      %add3A_97 = vector.broadcast %add3A : f32 to vector<16xf32>
      %add3A_98 = arith.addf %mul3A_96, %add3A_97 : vector<16xf32>
      %div3A = arith.divf %select_n3A_88, %add3A_98 : vector<16xf32>
      %add3A_99 = arith.addf %add3A_98, %div3A : vector<16xf32>
      %mul3A_100 = arith.constant 5.000000e-01 : f32
      %mul3A_101 = vector.broadcast %mul3A_100 : f32 to vector<16xf32>
      %mul3A_102 = arith.mulf %add3A_99, %mul3A_101 : vector<16xf32>
      %div3A_103 = arith.divf %select_n3A_88, %mul3A_102 : vector<16xf32>
      %add3A_104 = arith.addf %mul3A_102, %div3A_103 : vector<16xf32>
      %mul3A_105 = arith.constant 5.000000e-01 : f32
      %mul3A_106 = vector.broadcast %mul3A_105 : f32 to vector<16xf32>
      %mul3A_107 = arith.mulf %add3A_104, %mul3A_106 : vector<16xf32>
      %div3A_108 = arith.divf %select_n3A_88, %mul3A_107 : vector<16xf32>
      %add3A_109 = arith.addf %mul3A_107, %div3A_108 : vector<16xf32>
      %mul3A_110 = arith.constant 5.000000e-01 : f32
      %mul3A_111 = vector.broadcast %mul3A_110 : f32 to vector<16xf32>
      %mul3A_112 = arith.mulf %add3A_109, %mul3A_111 : vector<16xf32>
      %div3A_113 = arith.divf %select_n3A_88, %mul3A_112 : vector<16xf32>
      %add3A_114 = arith.addf %mul3A_112, %div3A_113 : vector<16xf32>
      %mul3A_115 = arith.constant 5.000000e-01 : f32
      %mul3A_116 = vector.broadcast %mul3A_115 : f32 to vector<16xf32>
      %mul3A_117 = arith.mulf %add3A_114, %mul3A_116 : vector<16xf32>
      %mul3A_118 = arith.mulf %select_n3A_69, %select_n3A_81 : vector<16xf32>
      %mul3A_119 = arith.mulf %mul3A_118, %select_n3A_93 : vector<16xf32>
      %div3A_120 = arith.divf %mul3A_119, %mul3A_117 : vector<16xf32>
      %gt3A = arith.constant 5.000000e-01 : f32
      %gt3A_121 = vector.broadcast %gt3A : f32 to vector<16xf32>
      %gt3A_122 = arith.cmpf ogt, %get3A_61, %gt3A_121 : vector<16xf32>
      %jit3A_123 = arith.constant 0.000000e+00 : f32
      %broadcast_in_dim3A_124 = vector.broadcast %jit3A_123 : f32 to vector<16xf32>
      %select_n3A_125 = arith.select %gt3A_122, %div3A_120, %broadcast_in_dim3A_124 : vector<16xi1>, vector<16xf32>
      %mul3A_126 = arith.constant 16 : i32
      %mul3A_127 = arith.muli %scan3A_58, %mul3A_126 : i32
      %swap3A = arith.index_cast %mul3A_127 : i32 to index
      %swap3A_128 = tpu.vector_load %arg8[%swap3A] {strides = array<i32>} : memref<640xf32, #tpu.memory_space<vmem>>, vector<16xf32>,
      tpu.vector_store %arg8[%swap3A], %select_n3A_125 {strides = array<i32>} : memref<640xf32, #tpu.memory_space<vmem>>, vector<16xf32>,
    }
    %scan3A_33 = arith.constant 40 : i32
    %mul3A_34 = arith.constant 640 : i32
    %mul3A_35 = arith.muli %arg1, %mul3A_34 : i32
    "tpu.region"() ({
      %run_scoped3A = tpu.sem_alloc : memref<!tpu.dma_semaphore, #tpu.memory_space<semaphore_mem>>
      %dma_start3A_58 = tpu.memref_slice %arg10[%mul3A_35] : memref<10240xf32, #tpu.memory_space<vmem_shared>> -> memref<640xf32, #tpu.memory_space<vmem_shared>>
      %dma_start3A_59 = tpu.memref_slice %arg10[%mul3A_35] : memref<10240xf32, #tpu.memory_space<vmem_shared>> -> memref<640xf32, #tpu.memory_space<vmem_shared>>
      tpu.enqueue_dma source(%arg8 : memref<640xf32, #tpu.memory_space<vmem>>) target(%dma_start3A_59 : memref<640xf32, #tpu.memory_space<vmem_shared>>) target_semaphore(%run_scoped3A : memref<!tpu.dma_semaphore, #tpu.memory_space<semaphore_mem>>)
      %dma_wait3A_60 = tpu.memref_slice %arg10[%mul3A_35] : memref<10240xf32, #tpu.memory_space<vmem_shared>> -> memref<640xf32, #tpu.memory_space<vmem_shared>>
      %dma_wait3A_61 = tpu.memref_slice %arg10[%mul3A_35] : memref<10240xf32, #tpu.memory_space<vmem_shared>> -> memref<640xf32, #tpu.memory_space<vmem_shared>>
      tpu.wait_dma2 semaphore(%run_scoped3A : memref<!tpu.dma_semaphore, #tpu.memory_space<semaphore_mem>>) src(%arg8 : memref<640xf32, #tpu.memory_space<vmem>>) dst(%dma_wait3A_61 : memref<640xf32, #tpu.memory_space<vmem_shared>>)
      tpu.yield
    }) : () -> ()
    %barrier3A_36 = arith.constant 0 : index
    tpu.barrier barrier_id(%barrier3A_36)
    "tpu.region"() ({
      %run_scoped3A = tpu.sem_alloc : memref<!tpu.dma_semaphore, #tpu.memory_space<semaphore_mem>>
      %dma_start3A_58 = arith.constant 0 : i32
      %dma_start3A_59 = tpu.memref_slice %arg10[%dma_start3A_58] : memref<10240xf32, #tpu.memory_space<vmem_shared>> -> memref<10240xf32, #tpu.memory_space<vmem_shared>>
      tpu.enqueue_indirect_dma source(%dma_start3A_59 : memref<10240xf32, #tpu.memory_space<vmem_shared>>) target(%arg7 : memref<5120xf32, #tpu.memory_space<vmem>>) offsets(%arg6 : memref<5120xi32, #tpu.memory_space<vmem>>) semaphore(%run_scoped3A : memref<!tpu.dma_semaphore, #tpu.memory_space<semaphore_mem>>)
      %dma_wait3A_60 = arith.constant 0 : i32
      %dma_wait3A_61 = tpu.memref_slice %arg10[%dma_wait3A_60] : memref<10240xf32, #tpu.memory_space<vmem_shared>> -> memref<10240xf32, #tpu.memory_space<vmem_shared>>
      tpu.wait_indirect_dma semaphore(%run_scoped3A : memref<!tpu.dma_semaphore, #tpu.memory_space<semaphore_mem>>) src(%dma_wait3A_61 : memref<10240xf32, #tpu.memory_space<vmem_shared>>) dst(%arg7 : memref<5120xf32, #tpu.memory_space<vmem>>)
      tpu.yield
    }) : () -> ()
    "tpu.region"() ({
      %run_scoped3A = tpu.sem_alloc : memref<!tpu.dma_semaphore, #tpu.memory_space<semaphore_mem>>
      %dma_start3A_58 = arith.constant 0 : i32
      %dma_start3A_59 = tpu.memref_slice %arg11[%dma_start3A_58] : memref<10240xf32, #tpu.memory_space<vmem_shared>> -> memref<10240xf32, #tpu.memory_space<vmem_shared>>
      tpu.enqueue_indirect_dma source(%arg7 : memref<5120xf32, #tpu.memory_space<vmem>>) target(%dma_start3A_59 : memref<10240xf32, #tpu.memory_space<vmem_shared>>) offsets(%arg5 : memref<5120xi32, #tpu.memory_space<vmem>>) semaphore(%run_scoped3A : memref<!tpu.dma_semaphore, #tpu.memory_space<semaphore_mem>>) {add = true}
      %dma_wait3A_60 = arith.constant 0 : i32
      %dma_wait3A_61 = tpu.memref_slice %arg11[%dma_wait3A_60] : memref<10240xf32, #tpu.memory_space<vmem_shared>> -> memref<10240xf32, #tpu.memory_space<vmem_shared>>
      tpu.wait_indirect_dma semaphore(%run_scoped3A : memref<!tpu.dma_semaphore, #tpu.memory_space<semaphore_mem>>) src(%arg7 : memref<5120xf32, #tpu.memory_space<vmem>>) dst(%dma_wait3A_61 : memref<10240xf32, #tpu.memory_space<vmem_shared>>)
      tpu.yield
    }) : () -> ()
    %barrier3A_37 = arith.constant 0 : index
    tpu.barrier barrier_id(%barrier3A_37)
    %mul3A_38 = arith.constant 640 : i32
    %mul3A_39 = arith.muli %arg1, %mul3A_38 : i32
    %dma_start3A_40 = tpu.memref_slice %arg10[%mul3A_39] : memref<10240xf32, #tpu.memory_space<vmem_shared>> -> memref<640xf32, #tpu.memory_space<vmem_shared>>
    %dma_start3A_41 = tpu.memref_slice %arg10[%mul3A_39] : memref<10240xf32, #tpu.memory_space<vmem_shared>> -> memref<640xf32, #tpu.memory_space<vmem_shared>>
    tpu.enqueue_dma source(%dma_start3A_41 : memref<640xf32, #tpu.memory_space<vmem_shared>>) target(%arg8 : memref<640xf32, #tpu.memory_space<vmem>>) target_semaphore(%arg12 : memref<!tpu.dma_semaphore, #tpu.memory_space<semaphore_mem>>)
    %mul3A_42 = arith.constant 640 : i32
    %mul3A_43 = arith.muli %arg1, %mul3A_42 : i32
    %dma_start3A_44 = tpu.memref_slice %arg11[%mul3A_43] : memref<10240xf32, #tpu.memory_space<vmem_shared>> -> memref<640xf32, #tpu.memory_space<vmem_shared>>
    %dma_start3A_45 = tpu.memref_slice %arg11[%mul3A_43] : memref<10240xf32, #tpu.memory_space<vmem_shared>> -> memref<640xf32, #tpu.memory_space<vmem_shared>>
    tpu.enqueue_dma source(%dma_start3A_45 : memref<640xf32, #tpu.memory_space<vmem_shared>>) target(%arg9 : memref<640xf32, #tpu.memory_space<vmem>>) target_semaphore(%arg12 : memref<!tpu.dma_semaphore, #tpu.memory_space<semaphore_mem>>)
    %dma_wait3A_46 = tpu.memref_slice %arg10[%mul3A_39] : memref<10240xf32, #tpu.memory_space<vmem_shared>> -> memref<640xf32, #tpu.memory_space<vmem_shared>>
    %dma_wait3A_47 = tpu.memref_slice %arg10[%mul3A_39] : memref<10240xf32, #tpu.memory_space<vmem_shared>> -> memref<640xf32, #tpu.memory_space<vmem_shared>>
    tpu.wait_dma2 semaphore(%arg12 : memref<!tpu.dma_semaphore, #tpu.memory_space<semaphore_mem>>) src(%dma_wait3A_47 : memref<640xf32, #tpu.memory_space<vmem_shared>>) dst(%arg8 : memref<640xf32, #tpu.memory_space<vmem>>)
    %dma_wait3A_48 = tpu.memref_slice %arg11[%mul3A_43] : memref<10240xf32, #tpu.memory_space<vmem_shared>> -> memref<640xf32, #tpu.memory_space<vmem_shared>>
    %dma_wait3A_49 = tpu.memref_slice %arg11[%mul3A_43] : memref<10240xf32, #tpu.memory_space<vmem_shared>> -> memref<640xf32, #tpu.memory_space<vmem_shared>>
    tpu.wait_dma2 semaphore(%arg12 : memref<!tpu.dma_semaphore, #tpu.memory_space<semaphore_mem>>) src(%dma_wait3A_49 : memref<640xf32, #tpu.memory_space<vmem_shared>>) dst(%arg9 : memref<640xf32, #tpu.memory_space<vmem>>)
    %scan3A_50 = arith.constant 0 : i32
    %scan3A_51 = arith.constant 0 : i32
    %scan3A_52 = arith.constant 40 : i32
    %scan3A_53 = arith.addi %scan3A_51, %scan3A_52 : i32
    %scan3A_54 = arith.constant 1 : i32
    scf.for %scan3A_58 = %scan3A_51 to %scan3A_53 step %scan3A_54  : i32 {
      %mul3A_59 = arith.constant 16 : i32
      %mul3A_60 = arith.muli %scan3A_58, %mul3A_59 : i32
      %get3A = arith.index_cast %mul3A_60 : i32 to index
      %get3A_61 = tpu.vector_load %arg8[%get3A] {strides = array<i32>} : memref<640xf32, #tpu.memory_space<vmem>>, vector<16xf32>,
      %mul3A_62 = arith.constant 16 : i32
      %mul3A_63 = arith.muli %scan3A_58, %mul3A_62 : i32
      %get3A_64 = arith.index_cast %mul3A_63 : i32 to index
      %get3A_65 = tpu.vector_load %arg9[%get3A_64] {strides = array<i32>} : memref<640xf32, #tpu.memory_space<vmem>>, vector<16xf32>,
      %mul3A_66 = arith.mulf %get3A_61, %get3A_65 : vector<16xf32>
      %mul3A_67 = arith.constant 16 : i32
      %mul3A_68 = arith.muli %scan3A_58, %mul3A_67 : i32
      %swap3A = arith.index_cast %mul3A_68 : i32 to index
      %swap3A_69 = tpu.vector_load %arg8[%swap3A] {strides = array<i32>} : memref<640xf32, #tpu.memory_space<vmem>>, vector<16xf32>,
      tpu.vector_store %arg8[%swap3A], %mul3A_66 {strides = array<i32>} : memref<640xf32, #tpu.memory_space<vmem>>, vector<16xf32>,
    }
    %scan3A_55 = arith.constant 40 : i32
    %mul3A_56 = arith.constant 640 : i32
    %mul3A_57 = arith.muli %arg1, %mul3A_56 : i32
    "tpu.region"() ({
      %run_scoped3A = tpu.sem_alloc : memref<!tpu.dma_semaphore, #tpu.memory_space<semaphore_mem>>
      %dma_start3A_58 = tpu.memref_slice %arg4[%arg0, %mul3A_57] : memref<8x10240xf32, #tpu.memory_space<hbm>> -> memref<1x640xf32, #tpu.memory_space<hbm>>
      %dma_start3A_59 = tpu.memref_squeeze %dma_start3A_58 : memref<1x640xf32, #tpu.memory_space<hbm>> -> memref<640xf32, #tpu.memory_space<hbm>>
      %dma_start3A_60 = tpu.memref_slice %arg4[%arg0, %mul3A_57] : memref<8x10240xf32, #tpu.memory_space<hbm>> -> memref<1x640xf32, #tpu.memory_space<hbm>>
      %dma_start3A_61 = tpu.memref_squeeze %dma_start3A_60 : memref<1x640xf32, #tpu.memory_space<hbm>> -> memref<640xf32, #tpu.memory_space<hbm>>
      tpu.enqueue_dma source(%arg8 : memref<640xf32, #tpu.memory_space<vmem>>) target(%dma_start3A_61 : memref<640xf32, #tpu.memory_space<hbm>>) target_semaphore(%run_scoped3A : memref<!tpu.dma_semaphore, #tpu.memory_space<semaphore_mem>>)
      %dma_wait3A_62 = tpu.memref_slice %arg4[%arg0, %mul3A_57] : memref<8x10240xf32, #tpu.memory_space<hbm>> -> memref<1x640xf32, #tpu.memory_space<hbm>>
      %dma_wait3A_63 = tpu.memref_squeeze %dma_wait3A_62 : memref<1x640xf32, #tpu.memory_space<hbm>> -> memref<640xf32, #tpu.memory_space<hbm>>
      %dma_wait3A_64 = tpu.memref_slice %arg4[%arg0, %mul3A_57] : memref<8x10240xf32, #tpu.memory_space<hbm>> -> memref<1x640xf32, #tpu.memory_space<hbm>>
      %dma_wait3A_65 = tpu.memref_squeeze %dma_wait3A_64 : memref<1x640xf32, #tpu.memory_space<hbm>> -> memref<640xf32, #tpu.memory_space<hbm>>
      tpu.wait_dma2 semaphore(%run_scoped3A : memref<!tpu.dma_semaphore, #tpu.memory_space<semaphore_mem>>) src(%arg8 : memref<640xf32, #tpu.memory_space<vmem>>) dst(%dma_wait3A_65 : memref<640xf32, #tpu.memory_space<hbm>>)
      tpu.yield
    }) : () -> ()
    return
  }
}

module attributes {stable_mosaic.version = 14 : i64} {
  func.func @_fused_body(%arg0: i32, %arg1: i32, %arg2: memref<2000x256xf32, #tpu.memory_space<vmem>>, %arg3: memref<256x256xf32, #tpu.memory_space<vmem>>, %arg4: memref<256x256xf32, #tpu.memory_space<vmem>>, %arg5: memref<256x256xf32, #tpu.memory_space<vmem>>, %arg6: memref<8x10240xf32, #tpu.memory_space<vmem>>, %arg7: memref<1x256xf32, #tpu.memory_space<vmem>>, %arg8: memref<1x256xf32, #tpu.memory_space<vmem>>, %arg9: memref<2000x256xf32, #tpu.memory_space<vmem>>, %arg10: memref<10000x256xf32, #tpu.memory_space<vmem>>, %arg11: memref<10240x8xf32, #tpu.memory_space<vmem>>, %arg12: memref<2x256xf32, #tpu.memory_space<vmem>>, %arg13: memref<2x256xf32, #tpu.memory_space<vmem>>) attributes {dimension_semantics = [#tpu.dimension_semantics<arbitrary>, #tpu.dimension_semantics<arbitrary>], iteration_bounds = array<i64: 2, 5>, scalar_prefetch = 0 : i64, scratch_operands = 4 : i64, tpu.core_type = #tpu.core_type<tc>, window_params = [{transform_indices = @transform_0, window_bounds = array<i64: 2000, 256>}, {pipeline_mode = #tpu.pipeline_mode<synchronous>, transform_indices = @transform_1, window_bounds = array<i64: 256, 256>}, {pipeline_mode = #tpu.pipeline_mode<synchronous>, transform_indices = @transform_2, window_bounds = array<i64: 256, 256>}, {pipeline_mode = #tpu.pipeline_mode<synchronous>, transform_indices = @transform_3, window_bounds = array<i64: 256, 256>}, {pipeline_mode = #tpu.pipeline_mode<synchronous>, transform_indices = @transform_4, window_bounds = array<i64: 8, 10240>}, {pipeline_mode = #tpu.pipeline_mode<synchronous>, transform_indices = @transform_5, window_bounds = array<i64: 1, 256>}, {pipeline_mode = #tpu.pipeline_mode<synchronous>, transform_indices = @transform_6, window_bounds = array<i64: 1, 256>}, {transform_indices = @transform_7, window_bounds = array<i64: 2000, 256>}]} {
    %eq3A = arith.constant 0 : i32
    %eq3A_0 = arith.cmpi eq, %arg0, %eq3A : i32
    %convert_element_type3A = arith.extui %eq3A_0 : i1 to i32
    %cond3A = arith.constant 0 : i32
    %cond3A_1 = arith.cmpi ne, %convert_element_type3A, %cond3A : i32
    scf.if %cond3A_1 {
      %eq3A_7 = arith.constant 0 : i32
      %eq3A_8 = arith.cmpi eq, %arg1, %eq3A_7 : i32
      %convert_element_type3A_9 = arith.extui %eq3A_8 : i1 to i32
      %cond3A_10 = arith.constant 0 : i32
      %cond3A_11 = arith.cmpi ne, %convert_element_type3A_9, %cond3A_10 : i32
      scf.if %cond3A_11 {
        %get3A_69 = arith.constant 0 : index
        %get3A_70 = arith.constant 0 : index
        %get3A_71 = vector.load %arg6[%get3A_69, %get3A_70] : memref<8x10240xf32, #tpu.memory_space<vmem>>, vector<8x10240xf32>
        %transpose3A = tpu.transpose %get3A_71, [1, 0] : vector<8x10240xf32> -> vector<10240x8xf32>
        %swap3A_72 = arith.constant 0 : index
        %swap3A_73 = arith.constant 0 : index
        %swap3A_74 = vector.load %arg11[%swap3A_72, %swap3A_73] : memref<10240x8xf32, #tpu.memory_space<vmem>>, vector<10240x8xf32>
        tpu.vector_store %arg11[%swap3A_72, %swap3A_73], %transpose3A {strides = array<i32>} : memref<10240x8xf32, #tpu.memory_space<vmem>>, vector<10240x8xf32>,
        %broadcast_in_dim3A_75 = arith.constant 0.000000e+00 : f32
        %broadcast_in_dim3A_76 = vector.broadcast %broadcast_in_dim3A_75 : f32 to vector<2x256xf32>
        %swap3A_77 = arith.constant 0 : index
        %swap3A_78 = arith.constant 0 : index
        %swap3A_79 = vector.load %arg12[%swap3A_77, %swap3A_78] : memref<2x256xf32, #tpu.memory_space<vmem>>, vector<2x256xf32>
        tpu.vector_store %arg12[%swap3A_77, %swap3A_78], %broadcast_in_dim3A_76 {strides = array<i32>} : memref<2x256xf32, #tpu.memory_space<vmem>>, vector<2x256xf32>,
      } else {
      }
      %get3A = arith.constant 0 : index
      %get3A_12 = arith.constant 0 : index
      %get3A_13 = vector.load %arg2[%get3A, %get3A_12] : memref<2000x256xf32, #tpu.memory_space<vmem>>, vector<2000x256xf32>
      %mul3A = arith.constant 2000 : i32
      %mul3A_14 = arith.muli %arg1, %mul3A : i32
      %get3A_15 = arith.index_cast %mul3A_14 : i32 to index
      %get3A_16 = arith.constant 0 : index
      %get3A_17 = vector.load %arg11[%get3A_15, %get3A_16] : memref<10240x8xf32, #tpu.memory_space<vmem>>, vector<2000x8xf32>
      %get3A_18 = arith.constant 0 : index
      %get3A_19 = arith.constant 0 : index
      %get3A_20 = vector.load %arg3[%get3A_18, %get3A_19] : memref<256x256xf32, #tpu.memory_space<vmem>>, vector<256x256xf32>
      %dot_general3A = arith.constant dense<0.000000e+00> : vector<2000x256xf32>
      %dot_general3A_21 = tpu.matmul %get3A_13, %get3A_20, %dot_general3A {dimension_numbers = #tpu.dot_dimension_numbers<[1], [0], [0], [1], [0, 0, 1, 1], [], []>, transpose_lhs_hint = false} : vector<2000x256xf32>, vector<256x256xf32>, vector<2000x256xf32> -> vector<2000x256xf32>
      %slice3A = vector.extract_strided_slice %get3A_17 {offsets = [0, 0], sizes = [2000, 1], strides = [1, 1]} : vector<2000x8xf32> to vector<2000x1xf32>
      %mul3A_22 = vector.broadcast %slice3A : vector<2000x1xf32> to vector<2000x256xf32>
      %mul3A_23 = arith.mulf %dot_general3A_21, %mul3A_22 : vector<2000x256xf32>
      %get3A_24 = arith.constant 0 : index
      %get3A_25 = arith.constant 0 : index
      %get3A_26 = vector.load %arg4[%get3A_24, %get3A_25] : memref<256x256xf32, #tpu.memory_space<vmem>>, vector<256x256xf32>
      %dot_general3A_27 = arith.constant dense<0.000000e+00> : vector<2000x256xf32>
      %dot_general3A_28 = tpu.matmul %get3A_13, %get3A_26, %dot_general3A_27 {dimension_numbers = #tpu.dot_dimension_numbers<[1], [0], [0], [1], [0, 0, 1, 1], [], []>, transpose_lhs_hint = false} : vector<2000x256xf32>, vector<256x256xf32>, vector<2000x256xf32> -> vector<2000x256xf32>
      %slice3A_29 = vector.extract_strided_slice %get3A_17 {offsets = [0, 1], sizes = [2000, 1], strides = [1, 1]} : vector<2000x8xf32> to vector<2000x1xf32>
      %mul3A_30 = vector.broadcast %slice3A_29 : vector<2000x1xf32> to vector<2000x256xf32>
      %mul3A_31 = arith.mulf %dot_general3A_28, %mul3A_30 : vector<2000x256xf32>
      %add3A = arith.addf %mul3A_23, %mul3A_31 : vector<2000x256xf32>
      %get3A_32 = arith.constant 0 : index
      %get3A_33 = arith.constant 0 : index
      %get3A_34 = vector.load %arg5[%get3A_32, %get3A_33] : memref<256x256xf32, #tpu.memory_space<vmem>>, vector<256x256xf32>
      %dot_general3A_35 = arith.constant dense<0.000000e+00> : vector<2000x256xf32>
      %dot_general3A_36 = tpu.matmul %get3A_13, %get3A_34, %dot_general3A_35 {dimension_numbers = #tpu.dot_dimension_numbers<[1], [0], [0], [1], [0, 0, 1, 1], [], []>, transpose_lhs_hint = false} : vector<2000x256xf32>, vector<256x256xf32>, vector<2000x256xf32> -> vector<2000x256xf32>
      %add3A_37 = arith.addf %add3A, %dot_general3A_36 : vector<2000x256xf32>
      %mul3A_38 = arith.constant 0.333333343 : f32
      %mul3A_39 = vector.broadcast %mul3A_38 : f32 to vector<2000x256xf32>
      %mul3A_40 = arith.mulf %add3A_37, %mul3A_39 : vector<2000x256xf32>
      %mul3A_41 = arith.constant 2000 : i32
      %mul3A_42 = arith.muli %arg1, %mul3A_41 : i32
      %swap3A = arith.index_cast %mul3A_42 : i32 to index
      %swap3A_43 = arith.constant 0 : index
      %swap3A_44 = vector.load %arg10[%swap3A, %swap3A_43] : memref<10000x256xf32, #tpu.memory_space<vmem>>, vector<2000x256xf32>
      tpu.vector_store %arg10[%swap3A, %swap3A_43], %mul3A_40 {strides = array<i32>} : memref<10000x256xf32, #tpu.memory_space<vmem>>, vector<2000x256xf32>,
      %get3A_45 = arith.constant 0 : index
      %get3A_46 = arith.constant 0 : index
      %get3A_47 = vector.load %arg12[%get3A_45, %get3A_46] : memref<2x256xf32, #tpu.memory_space<vmem>>, vector<1x256xf32>
      %reduce_sum3A = arith.constant dense<0.000000e+00> : vector<256xf32>
      %reduce_sum3A_48 = vector.multi_reduction <add>, %mul3A_40, %reduce_sum3A [0] : vector<2000x256xf32> to vector<256xf32>
      %broadcast_in_dim3A = vector.shape_cast %reduce_sum3A_48 : vector<256xf32> to vector<1x256xf32>
      %add3A_49 = arith.addf %get3A_47, %broadcast_in_dim3A : vector<1x256xf32>
      %swap3A_50 = arith.constant 0 : index
      %swap3A_51 = arith.constant 0 : index
      %swap3A_52 = vector.load %arg12[%swap3A_50, %swap3A_51] : memref<2x256xf32, #tpu.memory_space<vmem>>, vector<1x256xf32>
      tpu.vector_store %arg12[%swap3A_50, %swap3A_51], %add3A_49 {strides = array<i32>} : memref<2x256xf32, #tpu.memory_space<vmem>>, vector<1x256xf32>,
      %get3A_53 = arith.constant 1 : index
      %get3A_54 = arith.constant 0 : index
      %get3A_55 = vector.load %arg12[%get3A_53, %get3A_54] : memref<2x256xf32, #tpu.memory_space<vmem>>, vector<1x256xf32>
      %mul3A_56 = arith.mulf %mul3A_40, %mul3A_40 : vector<2000x256xf32>
      %reduce_sum3A_57 = arith.constant dense<0.000000e+00> : vector<256xf32>
      %reduce_sum3A_58 = vector.multi_reduction <add>, %mul3A_56, %reduce_sum3A_57 [0] : vector<2000x256xf32> to vector<256xf32>
      %broadcast_in_dim3A_59 = vector.shape_cast %reduce_sum3A_58 : vector<256xf32> to vector<1x256xf32>
      %add3A_60 = arith.addf %get3A_55, %broadcast_in_dim3A_59 : vector<1x256xf32>
      %swap3A_61 = arith.constant 1 : index
      %swap3A_62 = arith.constant 0 : index
      %swap3A_63 = vector.load %arg12[%swap3A_61, %swap3A_62] : memref<2x256xf32, #tpu.memory_space<vmem>>, vector<1x256xf32>
      tpu.vector_store %arg12[%swap3A_61, %swap3A_62], %add3A_60 {strides = array<i32>} : memref<2x256xf32, #tpu.memory_space<vmem>>, vector<1x256xf32>,
      %eq3A_64 = arith.constant 4 : i32
      %eq3A_65 = arith.cmpi eq, %arg1, %eq3A_64 : i32
      %convert_element_type3A_66 = arith.extui %eq3A_65 : i1 to i32
      %cond3A_67 = arith.constant 0 : i32
      %cond3A_68 = arith.cmpi ne, %convert_element_type3A_66, %cond3A_67 : i32
      scf.if %cond3A_68 {
        %get3A_69 = arith.constant 0 : index
        %get3A_70 = arith.constant 0 : index
        %get3A_71 = vector.load %arg12[%get3A_69, %get3A_70] : memref<2x256xf32, #tpu.memory_space<vmem>>, vector<1x256xf32>
        %mul3A_72 = arith.constant 9.99999974E-5 : f32
        %mul3A_73 = vector.broadcast %mul3A_72 : f32 to vector<1x256xf32>
        %mul3A_74 = arith.mulf %get3A_71, %mul3A_73 : vector<1x256xf32>
        %get3A_75 = arith.constant 1 : index
        %get3A_76 = arith.constant 0 : index
        %get3A_77 = vector.load %arg12[%get3A_75, %get3A_76] : memref<2x256xf32, #tpu.memory_space<vmem>>, vector<1x256xf32>
        %mul3A_78 = arith.constant 9.99999974E-5 : f32
        %mul3A_79 = vector.broadcast %mul3A_78 : f32 to vector<1x256xf32>
        %mul3A_80 = arith.mulf %get3A_77, %mul3A_79 : vector<1x256xf32>
        %mul3A_81 = arith.mulf %mul3A_74, %mul3A_74 : vector<1x256xf32>
        %sub3A = arith.subf %mul3A_80, %mul3A_81 : vector<1x256xf32>
        %add3A_82 = arith.constant 9.99999974E-6 : f32
        %add3A_83 = vector.broadcast %add3A_82 : f32 to vector<1x256xf32>
        %add3A_84 = arith.addf %sub3A, %add3A_83 : vector<1x256xf32>
        %rsqrt3A = math.rsqrt %add3A_84 : vector<1x256xf32>
        %get3A_85 = arith.constant 0 : index
        %get3A_86 = arith.constant 0 : index
        %get3A_87 = vector.load %arg7[%get3A_85, %get3A_86] : memref<1x256xf32, #tpu.memory_space<vmem>>, vector<1x256xf32>
        %mul3A_88 = arith.mulf %rsqrt3A, %get3A_87 : vector<1x256xf32>
        %swap3A_89 = arith.constant 0 : index
        %swap3A_90 = arith.constant 0 : index
        %swap3A_91 = vector.load %arg13[%swap3A_89, %swap3A_90] : memref<2x256xf32, #tpu.memory_space<vmem>>, vector<1x256xf32>
        tpu.vector_store %arg13[%swap3A_89, %swap3A_90], %mul3A_88 {strides = array<i32>} : memref<2x256xf32, #tpu.memory_space<vmem>>, vector<1x256xf32>,
        %get3A_92 = arith.constant 0 : index
        %get3A_93 = arith.constant 0 : index
        %get3A_94 = vector.load %arg8[%get3A_92, %get3A_93] : memref<1x256xf32, #tpu.memory_space<vmem>>, vector<1x256xf32>
        %mul3A_95 = arith.mulf %mul3A_74, %mul3A_88 : vector<1x256xf32>
        %sub3A_96 = arith.subf %get3A_94, %mul3A_95 : vector<1x256xf32>
        %swap3A_97 = arith.constant 1 : index
        %swap3A_98 = arith.constant 0 : index
        %swap3A_99 = vector.load %arg13[%swap3A_97, %swap3A_98] : memref<2x256xf32, #tpu.memory_space<vmem>>, vector<1x256xf32>
        tpu.vector_store %arg13[%swap3A_97, %swap3A_98], %sub3A_96 {strides = array<i32>} : memref<2x256xf32, #tpu.memory_space<vmem>>, vector<1x256xf32>,
      } else {
      }
    } else {
    }
    %eq3A_2 = arith.constant 1 : i32
    %eq3A_3 = arith.cmpi eq, %arg0, %eq3A_2 : i32
    %convert_element_type3A_4 = arith.extui %eq3A_3 : i1 to i32
    %cond3A_5 = arith.constant 0 : i32
    %cond3A_6 = arith.cmpi ne, %convert_element_type3A_4, %cond3A_5 : i32
    scf.if %cond3A_6 {
      %mul3A = arith.constant 2000 : i32
      %mul3A_7 = arith.muli %arg1, %mul3A : i32
      %get3A = arith.index_cast %mul3A_7 : i32 to index
      %get3A_8 = arith.constant 0 : index
      %get3A_9 = vector.load %arg10[%get3A, %get3A_8] : memref<10000x256xf32, #tpu.memory_space<vmem>>, vector<2000x256xf32>
      %get3A_10 = arith.constant 0 : index
      %get3A_11 = arith.constant 0 : index
      %get3A_12 = vector.load %arg13[%get3A_10, %get3A_11] : memref<2x256xf32, #tpu.memory_space<vmem>>, vector<1x256xf32>
      %mul3A_13 = vector.broadcast %get3A_12 : vector<1x256xf32> to vector<2000x256xf32>
      %mul3A_14 = arith.mulf %get3A_9, %mul3A_13 : vector<2000x256xf32>
      %get3A_15 = arith.constant 1 : index
      %get3A_16 = arith.constant 0 : index
      %get3A_17 = vector.load %arg13[%get3A_15, %get3A_16] : memref<2x256xf32, #tpu.memory_space<vmem>>, vector<1x256xf32>
      %add3A = vector.broadcast %get3A_17 : vector<1x256xf32> to vector<2000x256xf32>
      %add3A_18 = arith.addf %mul3A_14, %add3A : vector<2000x256xf32>
      %tanh3A = math.tanh %add3A_18 : vector<2000x256xf32>
      %swap3A = arith.constant 0 : index
      %swap3A_19 = arith.constant 0 : index
      %swap3A_20 = vector.load %arg9[%swap3A, %swap3A_19] : memref<2000x256xf32, #tpu.memory_space<vmem>>, vector<2000x256xf32>
      tpu.vector_store %arg9[%swap3A, %swap3A_19], %tanh3A {strides = array<i32>} : memref<2000x256xf32, #tpu.memory_space<vmem>>, vector<2000x256xf32>,
    } else {
    }
    return
  }
  func.func @transform_0(%arg0: i32, %arg1: i32) -> (i32, i32) {
    %sub3A = arith.constant 1 : i32
    %sub3A_0 = arith.subi %sub3A, %arg0 : i32
    %mul3A = arith.muli %sub3A_0, %arg1 : i32
    %c0_i32 = arith.constant 0 : i32
    %c0_i32_1 = arith.constant 0 : i32
    return %mul3A, %c0_i32 : i32, i32
  }
  func.func @transform_1(%arg0: i32, %arg1: i32) -> (i32, i32) {
    %c0_i32 = arith.constant 0 : i32
    %c0_i32_0 = arith.constant 0 : i32
    %c0_i32_1 = arith.constant 0 : i32
    return %c0_i32, %c0_i32_0 : i32, i32
  }
  func.func @transform_2(%arg0: i32, %arg1: i32) -> (i32, i32) {
    %c0_i32 = arith.constant 0 : i32
    %c0_i32_0 = arith.constant 0 : i32
    %c0_i32_1 = arith.constant 0 : i32
    return %c0_i32, %c0_i32_0 : i32, i32
  }
  func.func @transform_3(%arg0: i32, %arg1: i32) -> (i32, i32) {
    %c0_i32 = arith.constant 0 : i32
    %c0_i32_0 = arith.constant 0 : i32
    %c0_i32_1 = arith.constant 0 : i32
    return %c0_i32, %c0_i32_0 : i32, i32
  }
  func.func @transform_4(%arg0: i32, %arg1: i32) -> (i32, i32) {
    %c0_i32 = arith.constant 0 : i32
    %c0_i32_0 = arith.constant 0 : i32
    %c0_i32_1 = arith.constant 0 : i32
    return %c0_i32, %c0_i32_0 : i32, i32
  }
  func.func @transform_5(%arg0: i32, %arg1: i32) -> (i32, i32) {
    %c0_i32 = arith.constant 0 : i32
    %c0_i32_0 = arith.constant 0 : i32
    %c0_i32_1 = arith.constant 0 : i32
    return %c0_i32, %c0_i32_0 : i32, i32
  }
  func.func @transform_6(%arg0: i32, %arg1: i32) -> (i32, i32) {
    %c0_i32 = arith.constant 0 : i32
    %c0_i32_0 = arith.constant 0 : i32
    %c0_i32_1 = arith.constant 0 : i32
    return %c0_i32, %c0_i32_0 : i32, i32
  }
  func.func @transform_7(%arg0: i32, %arg1: i32) -> (i32, i32) {
    %mul3A = arith.muli %arg0, %arg1 : i32
    %c0_i32 = arith.constant 0 : i32
    %c0_i32_0 = arith.constant 0 : i32
    return %mul3A, %c0_i32 : i32, i32
  }
}

</mosaic_0001>

<sc_bundles>
// kernel: kernel.4.cloned.1.call-start
scs
__scs_entry_jumppad:
0x0: {  	(pc) =	sbr.rel $0x88, $3  }
0x1: {  	(tag) =	ssettag $0x0;
	lr =	simm.s32 $0x1  }
0x2: {  	[smem:$0x3F99] =	sst lr;
	_ =	strace $0xD0000000  }
0x3: {  	_ = 	snop  }
0x4: {  	_ = 	snop  }
0x5: {  	_ = 	snop  }
0x6: {  	_ = 	snop  }
0x7: {  	_ = 	snop  }
__scs_overlays_trampoline_lowered:
0x8: {  	[smem:$0x3FA8] =	sst s0  }
0x9: {  	[smem:$0x3FA9] =	sst s1  }
0xa: {  	[smem:$0x3FAA] =	sst s2  }
0xb: {  	[smem:$0x3FAB] =	sst s3  }
0xc: {  	[smem:$0x3FAC] =	sst s4  }
0xd: {  	[smem:$0x3FAD] =	sst s5  }
0xe: {  	[smem:$0x3FAE] =	sst s6  }
0xf: {  	[smem:$0x3FAF] =	sst s7  }
0x10: {  	[smem:$0x3FB0] =	sst s8  }
0x11: {  	[smem:$0x3FB1] =	sst s9;
	s0 =	simm.s32 @!p0 $0x0  }
0x12: {  	s1 =	sld [smem:$0x3F97];
	s0 =	simm.s32 @p0 $0x1  }
0x13: {  	[smem:$0x3FB2] =	sst s0;
	s0 =	simm.s32 @!p1 $0x0  }
0x14: {  	s2 =	sld [smem:$0x3F96];
	s0 =	simm.s32 @p1 $0x1  }
0x15: {  	[smem:$0x3FB3] =	sst s0;
	s0 =	simm.s32 @!p2 $0x0  }
0x16: {  	s3 =	sld [smem:$0x3FDB];
	s0 =	simm.s32 @p2 $0x1  }
0x17: {  	s4 =	simm.s32 $0x1BF5;
	[smem:$0x3FB5] =	sst s0  }
0x18: {  	s0 =	sld [smem:$0x3F98];
	_ =	swait.ge [sflag:s4], $0x0  }
0x19: {  	s7 =	sld [smem:$0x3F99]  }
0x1a: {  	s8 =	sadd.s32 $0xFFFFE003, lr  }
0x1b: {  	s9 =	sadd.s32 $0xFFFFFEF7, lr;
	s5 =	simm.s32 $0xFFFFFFFF;
	p2 =	slt.u32 s8, $0xFFFFF086  }
0x1c: {  	p1 =	slt.u32 s9, $0xF7A;
	s5 =	simm.s32 @!p2 $0x0  }
0x1d: {  	s5 =	simm.s32 @p1 $0x1;
	p0 =	seq.s32 s7, s2  }
0x1e: {  	s7 =	smul.u32 @!p0 $0xF7A, s2;
	p2 =	seq.s32 @!p0 s5, $0x0  }
0x1f: {  	s9 =	smul.u32 $0xF7A, s1;
	s8 =	simm.s32 @!p0 $0x1BF5;
	p2 =	por !p2, p0  }
0x20: {  	[sflag:s8] =	ssyncset.s32 @!p0 $0xFFFFF086;
	s6 =	sadd.s32 @!p0 s3, s7;
	s7 =	simm.s32 @!p0 $0x108  }
0x21: {  	s3 =	sadd.s32 s3, s9;
	s6 =	sadd.s32 @!p0 $0x88, s6;
	s7 =	simm.s32 @p2 $0x1082  }
0x22: {  	[simem:s7], [sflag:s8] =	dma.local @!p0 [hbm:s6], $0xF7A  }
0x23: {  	s9 =	sor.u32 $0xD0000000, s2;
	s6 =	simm.s32 $0x108;
	_ =	swait.ge @!p0 [sflag:s8], $0x0  }
0x24: {  	s3 =	sadd.s32 $0x88, s3;
	s6 =	simm.s32 @!p1 $0x1082;
	[sflag:s4] =	ssyncset.s32 $0xFFFFF086  }
0x25: {  	[simem:s6], [sflag:s4] =	dma.local [hbm:s3], $0xF7A  }
0x26: {  	[smem:$0x3F99] =	sst s1;
	(tag) =	ssettag s2;
	_ =	strace s9  }
0x27: {  	s1 =	sld [smem:$0x3FA9]  }
0x28: {  	s2 =	sld [smem:$0x3FAA]  }
0x29: {  	s4 =	sld [smem:$0x3FAC]  }
0x2a: {  	p0 =	seq.s32 s5, $0x0;
	s5 =	sld [smem:$0x3FAD]  }
0x2b: {  	s6 =	sld [smem:$0x3FAE]  }
0x2c: {  	s7 =	sld [smem:$0x3FAF]  }
0x2d: {  	s3 =	simm.s32 $0x108;
	s8 =	sld [smem:$0x3FB0]  }
0x2e: {  	s3 =	simm.s32 @!p0 $0x1082;
	s9 =	sld [smem:$0x3FB1]  }
0x2f: {  	lr =	sadd.s32 s0, s3;
	s0 =	sld [smem:$0x3FA8]  }
0x30: {  	s3 =	sld [smem:$0x3FAB]  }
0x31: {  	[smem:$0x3FB4] =	sst s10  }
0x32: {  	s10 =	sld [smem:$0x3FB2];
	_ =	sdelay $0x3  }
0x33: {  	p0 =	seq.s32 s10, $0x1;
	s10 =	sld [smem:$0x3FB4];
	_ =	sdelay $0x3  }
0x34: {  	[smem:$0x3FB4] =	sst s10  }
0x35: {  	s10 =	sld [smem:$0x3FB3];
	_ =	sdelay $0x3  }
0x36: {  	p1 =	seq.s32 s10, $0x1;
	s10 =	sld [smem:$0x3FB4];
	_ =	sdelay $0x3  }
0x37: {  	[smem:$0x3FB4] =	sst s10  }
0x38: {  	s10 =	sld [smem:$0x3FB5]  }
0x39: {  	_ = 	snop;
	(pc) =	sbr.ind lr, $3  }
0x3a: {  	_ = 	snop  }
0x3b: {  	_ = 	snop  }
0x3c: {  	p2 =	seq.s32 s10, $0x1;
	s10 =	sld [smem:$0x3FB4]  }
0x3d: {  	_ =	shalt  }
0x3e: {  	_ =	shalt  }
0x3f: {  	_ =	shalt  }
0x40: {  	_ =	shalt  }
0x41: {  	_ =	shalt  }
0x42: {  	_ =	shalt  }
0x43: {  	_ =	shalt  }
0x44: {  	_ =	shalt  }
0x45: {  	_ =	shalt  }
0x46: {  	_ =	shalt  }
0x47: {  	_ =	shalt  }
0x48: {  	_ =	shalt  }
0x49: {  	_ =	shalt  }
0x4a: {  	_ =	shalt  }
0x4b: {  	_ =	shalt  }
0x4c: {  	_ =	shalt  }
0x4d: {  	_ =	shalt  }
0x4e: {  	_ =	shalt  }
0x4f: {  	_ =	shalt  }
0x50: {  	_ =	shalt  }
0x51: {  	_ =	shalt  }
0x52: {  	_ =	shalt  }
0x53: {  	_ =	shalt  }
0x54: {  	_ =	shalt  }
0x55: {  	_ =	shalt  }
0x56: {  	_ =	shalt  }
0x57: {  	_ =	shalt  }
0x58: {  	_ =	shalt  }
0x59: {  	_ =	shalt  }
0x5a: {  	_ =	shalt  }
0x5b: {  	_ =	shalt  }
0x5c: {  	_ =	shalt  }
0x5d: {  	_ =	shalt  }
0x5e: {  	_ =	shalt  }
0x5f: {  	_ =	shalt  }
0x60: {  	_ =	shalt  }
0x61: {  	_ =	shalt  }
0x62: {  	_ =	shalt  }
0x63: {  	_ =	shalt  }
0x64: {  	_ =	shalt  }
0x65: {  	_ =	shalt  }
0x66: {  	_ =	shalt  }
0x67: {  	_ =	shalt  }
0x68: {  	_ =	shalt  }
0x69: {  	_ =	shalt  }
0x6a: {  	_ =	shalt  }
0x6b: {  	_ =	shalt  }
0x6c: {  	_ =	shalt  }
0x6d: {  	_ =	shalt  }
0x6e: {  	_ =	shalt  }
0x6f: {  	_ =	shalt  }
0x70: {  	_ =	shalt  }
0x71: {  	_ =	shalt  }
0x72: {  	_ =	shalt  }
0x73: {  	_ =	shalt  }
0x74: {  	_ =	shalt  }
0x75: {  	_ =	shalt  }
0x76: {  	_ =	shalt  }
0x77: {  	_ =	shalt  }
0x78: {  	_ =	shalt  }
0x79: {  	_ =	shalt  }
0x7a: {  	_ =	shalt  }
0x7b: {  	_ =	shalt  }
0x7c: {  	_ =	shalt  }
0x7d: {  	_ =	shalt  }
0x7e: {  	_ =	shalt  }
0x7f: {  	_ =	shalt  }
0x80: {  	_ =	shalt  }
0x81: {  	_ =	shalt  }
0x82: {  	_ =	shalt  }
0x83: {  	_ =	shalt  }
0x84: {  	_ =	shalt  }
0x85: {  	_ =	shalt  }
0x86: {  	_ =	shalt  }
0x87: {  	_ =	shalt  }
.Lfunc_end0:
.L_simem_size_0:
called_computation_lowered:
.L_overlay_start_0:
0x88: {  	s2 =	sld [smem:$0x3FD9]  }
0x89: {  	s3 =	sld [smem:$0x3FFE];
	_ =	sdelay $0x1  }
0x8a: {  	s1 =	srdreg.scid  }
0x8b: {  	s0 =	sand.u32 $0x1, s1  }
0x8c: {  	s14 =	sshll.u32 s0, $0xA;
	s2 =	sadd.s32 s3, s2  }
0x8d: {  	s2 =	sadd.s32 s2, s14  }
0x8e: {  	[smem:$0x3FC0] =	sst s2  }
0x8f: {  	_ = 	snop  }
0x90: {  	s2 =	sld [smem:$0x3FD0];
	_ =	sdelay $0x2  }
0x91: {  	s15 =	simm.s32 $0xA;
	s4 =	simm.s32 $0x10  }
0x92: {  	[smem:s4], [sflag:s15] =	dma.local [hbm:s2], $0x1  }
0x93: {  	_ =	swait.eq [sflag:s15], $0x1  }
0x94: {  	[sflag:s15] =	ssyncset.done $0x0  }
0x95: {  	s16 =	sld [smem:$0x10];
	[sflag:s15] =	ssyncadd.s32 $0xFFFFFFFF  }
0x96: {  	s17 =	sld [smem:$0x11];
	(tm) =	ssettm $0x1  }
0x97: {  	s18 =	sld [smem:$0x3FFB];
	_ =	sdelay $0x3  }
0x98: {  	_ =	strace s18  }
0x99: {  	s4 =	sld [smem:$0x3FFC];
	_ =	sdelay $0x3  }
0x9a: {  	_ =	strace s4  }
0x9b: {  	s4 =	sld [smem:$0x3FFD];
	_ =	sdelay $0x3  }
0x9c: {  	_ =	strace s4  }
0x9d: {  	_ =	strace $0x8FFFFFFF  }
0x9e: {  	s19 =	sld [smem:$0x3FDB];
	_ =	sdelay $0x1  }
0x9f: {  	s5 =	simm.s32 $_scs_section_size  }
0xa0: {  	s6 =	simm.s32 $_size__tile_overlayer_lowered;
	s7 =	simm.s32 $_tile_overlayer_lowered  }
0xa1: {  	s22 =	simm.s32 $0x1BFF;
	s21 =	sshll.u32 s7, $0x1;
	s4 =	sadd.s32 s5, s19  }
0xa2: {  	s8 =	simm.s32 $0x0;
	s20 =	sshll.u32 s6, $0x1;
	s6 =	sadd.s32 s21, s4  }
0xa3: {  	[timem:s8], [sflag:s22] =	dma.local [hbm:s6], s20  }
0xa4: {  	_ =	swait.ge [sflag:s22], s20  }
0xa5: {  	s5 =	ssub.s32 $0x0, s20;
	[sflag:s22] =	ssyncset.done $0x0  }
0xa6: {  	[sflag:s22] =	ssyncadd.s32 s5;
	_ =	sdelay $0x1  }
0xa7: {  	s23 =	simm.s32 $0x1B8B  }
0xa8: {  	_ =	swait.ge [sflag:s23], $0x1  }
0xa9: {  	[sflag:s23] =	ssyncset.done $0x0  }
0xaa: {  	s25 =	simm.s32 $0x1B8E;
	s24 =	sld [smem:$0x3FFE];
	[sflag:s23] =	ssyncadd.s32 $0xFFFFFFFF  }
0xab: {  	s26 =	simm.s32 $execute0_lowered;
	[smem:$0x3FD2] =	sst s25  }
0xac: {  	s6 =	sshll.u32 s26, $0x1;
	_ =	strace $0x80000046;
	[dreg:$0x1] =	wrdreg $0xFFFFFFFF  }
0xad: {  	s28 =	simm.s32 $_size_execute0_lowered;
	s4 =	sadd.s32 s4, s6;
	[dreg:$0x0] =	wrdreg $0x0  }
0xae: {  	s6 =	sshll.u32 s28, $0x1;
	[dreg:$0x2] =	wrdreg s4  }
0xaf: {  	[dreg:$0x3] =	wrdreg s6  }
0xb0: {  	[dreg:$0x4] =	wrdreg $0xC0  }
0xb1: {  	_ =	task [dreg:s8], $0x5FFFF  }
0xb2: {  	[dreg:$0x1] =	wrdreg $0xFFFFFFFF  }
0xb3: {  	[dreg:$0x0] =	wrdreg $0x60  }
0xb4: {  	[dreg:$0x2] =	wrdreg s16  }
0xb5: {  	[dreg:$0x3] =	wrdreg s17  }
0xb6: {  	[dreg:$0x4] =	wrdreg s24  }
0xb7: {  	[dreg:$0x5] =	wrdreg $0x41000  }
0xb8: {  	[dreg:$0x6] =	wrdreg $0x43800  }
0xb9: {  	[dreg:$0x7] =	wrdreg $0x9  }
0xba: {  	_ =	task.clear_ibuf [dreg:s8], $0x8FFFF;
	_ =	strace $0x90000046  }
0xbb: {  	s29 =	simm.s32 $0x9;
	_ =	strace $0x80000048  }
0xbc: {  	_ =	swait.ge [sflag:s29], $0x1  }
0xbd: {  	[sflag:s29] =	ssyncadd.s32 $0xFFFFFFFF  }
0xbe: {  	_ =	strace $0x90000048  }
0xbf: {  	_ =	sfence  }
0xc0: {  	s30 =	sld [smem:$0x0];
	_ =	sdelay $0x2  }
0xc1: {  	s31 =	sshll.u32 s1, $0xD;
	s1 =	sshrl.u32 s1, $0x2  }
0xc2: {  	s3 =	sand.u32 $0x4000, s31;
	s1 =	sadd.s32 s1, s30  }
0xc3: {  	s0 =	sor.u32 s3, s0;
	s1 =	sshll.u32 s1, $0x11  }
0xc4: {  	s0 =	sor.u32 s1, s0  }
0xc5: {  	s0 =	sadd.s32 $0x8F2B, s0  }
0xc6: {  	[sflag:s0] =	ssyncadd.remote.s32 $0x1  }
0xc7: {  	_ =	sfence.sel $0xFFFF  }
0xc8: {  	[dreg:$0x0] =	wrdreg $0xFFFFFFFF;
	(pc) =	sbr.abs _section_cstart, $3  }
0xc9: {  	[dreg:$0x1] =	wrdreg $0xFFFFFFFF  }
0xca: {  	_ =	task.clear_ibuf [dreg:s8], $0x2FFFF;
	_ =	strace $0x9FFFFFFF  }
0xcb: {  	(tm) =	ssettm $0x7FFFFFFF  }
tec
execute0_lowered:
.L_overlay_start_1:
0x0: {  	(tag) =	ssettag $0x1  }
0x1: {  	s7 =	rddreg [dreg:$0x0]  }
0x2: {  	s1 =	rddreg [dreg:$0x1]  }
0x3: {  	s6 =	rddreg [dreg:$0x2]  }
0x4: {  	s3 =	rddreg [dreg:$0x3]  }
0x5: {  	s2 =	srdreg.scid;
	s0 =	stileid.u32  }
0x6: {  	s4 =	rddreg [dreg:$0x4];
	s5 =	simm.s32 $0x0;
	s14 =	simm.s32 $0x2800  }
0x7: {  	s15 =	simm.s32 $0x3C00;
	s16 =	simm.s32 $0x1;
	s17 =	simm.s32 $0x1400  }
0x8: {  	s18 =	simm.s32 $0x2;
	s19 =	simm.s32 $0x3E80;
	s20 =	simm.s32 $0x80  }
0x9: {  	s21 =	simm.s32 $0x400;
	s8 =	sand.u32 $0x1, s2;
	s2 =	rddreg [dreg:$0x5]  }
0xa: {  	s22 =	simm.s32 $0x0;
	s9 =	smul.u32 $0x1400, s0;
	[smem:$0x7FF] =	sst s5  }
0xb: {  	s31 =	smul.u32 $0x280, s0;
	p0 =	seq.s32 s0, $0xF;
	p1 =	sne.s32 s0, $0xF  }
0xc: {  	s10 =	sshll.u32 s8, $0x7;
	s11 =	smul.u32 $0x13880, s8;
	s8 =	ssub.s32 $0x2, s8  }
0xd: {  	_ =	strace $0x80000047;
	s10 =	sor.u32 s10, s9;
	s26 =	sshrl.u32 s8, $0x1  }
0xe: {  	s10 =	sshrl.u32 s10, $0x3;
	s9 =	sadd.s32 s9, s11;
	s13 =	ssub.s32 s8, s26  }
0xf: {  	s29 =	sshrl.u32 s11, $0x3;
	s11 =	sadd.s32 s31, s4;
	s12 =	sadd.s32 s10, s6  }
0x10: {  	s28 =	sshrl.u32 s9, $0x3;
	s30 =	sadd.s32 s7, s29;
	s10 =	sadd.s32 s31, s3  }
0x11: {  	s13 =	smax.u32 s13, $0x1;
	s6 =	sadd.s32 s7, s28;
	s8 =	sadd.s32 $0x2580, s30  }
0x12: {  	v0 =	vimm.f32 $0.0e+00;
	v1 =	vlaneseq.u32;
	v2 =	vimm.f32 $1.000000000e+00;
	s9 =	sadd.s32 $0x73A0, s30;
	s12 =	sadd.s32 $0x1400, s12;
	s7 =	sadd.s32 $0x4E20, s6  }
.LBB2_1:
0x13: {  	[tilespmem:s14], [sflag:$0x1] =	stream.linear.gather [hbm4b:s1+s5], $0x1400, $0x38;
	[tilespmem:$0x4600] =	vst v63  }
0x14: {  	s23 =	simm.s32 @p0 $0x0  }
0x15: {  	[tilespmem:s23], [sflag:$0x1] =	stream.linear.gather @p0 [hbm4b:s8+s23], $0xC80, $0x38;
	[tilespmem:$0x4600] =	vst v63  }
0x16: {  	s24 =	simm.s32 @p0 $0x1400  }
0x17: {  	[tilespmem:s24], [sflag:$0x1] =	stream.linear.gather @p0 [hbm4b:s9+s23], $0xC80, $0x38;
	[tilespmem:$0x4600] =	vst v63  }
0x18: {  	s23 =	simm.s32 @p0 $0x1  }
0x19: {  	_ =	swait.ge @p0 [sflag:s23], $0xC80  }
0x1a: {  	[sflag:s23] =	ssyncset.done @p0 $0x0  }
0x1b: {  	[sflag:s23] =	ssyncadd.s32 @p0 $0xFFFFF380  }
0x1c: {  	_ =	swait.ge @p0 [sflag:s23], $0xC80  }
0x1d: {  	[sflag:s23] =	ssyncset.done @p0 $0x0  }
0x1e: {  	[sflag:s23] =	ssyncadd.s32 @p0 $0xFFFFF380;
	s23 =	simm.s32 @!p0 $0x0  }
0x1f: {  	[tilespmem:s23], [sflag:$0x1] =	stream.linear.gather @!p0 [hbm4b:s6+s23], $0x1400, $0x38;
	[tilespmem:$0x4600] =	vst v63  }
0x20: {  	s24 =	simm.s32 @!p0 $0x1400  }
0x21: {  	[tilespmem:s24], [sflag:$0x1] =	stream.linear.gather @!p0 [hbm4b:s7+s23], $0x1400, $0x38;
	[tilespmem:$0x4600] =	vst v63  }
0x22: {  	s23 =	simm.s32 @!p0 $0x1  }
0x23: {  	_ =	swait.ge @!p0 [sflag:s23], $0x1400  }
0x24: {  	[sflag:s23] =	ssyncset.done @!p0 $0x0  }
0x25: {  	[sflag:s23] =	ssyncadd.s32 @!p0 $0xFFFFEC00  }
0x26: {  	_ =	swait.ge @!p0 [sflag:s23], $0x1400  }
0x27: {  	[sflag:s23] =	ssyncset.done @!p0 $0x0  }
0x28: {  	[sflag:s23] =	ssyncadd.s32 @!p0 $0xFFFFEC00  }
0x29: {  	[tilespmem:$0x3C00] =	vst v0  }
0x2a: {  	[tilespmem:$0x3C10] =	vst v0  }
0x2b: {  	[tilespmem:$0x3C20] =	vst v0  }
0x2c: {  	[tilespmem:$0x3C30] =	vst v0  }
0x2d: {  	[tilespmem:$0x3C40] =	vst v0  }
0x2e: {  	[tilespmem:$0x3C50] =	vst v0  }
0x2f: {  	[tilespmem:$0x3C60] =	vst v0  }
0x30: {  	[tilespmem:$0x3C70] =	vst v0  }
0x31: {  	[tilespmem:$0x3C80] =	vst v0  }
0x32: {  	[tilespmem:$0x3C90] =	vst v0  }
0x33: {  	[tilespmem:$0x3CA0] =	vst v0  }
0x34: {  	[tilespmem:$0x3CB0] =	vst v0  }
0x35: {  	[tilespmem:$0x3CC0] =	vst v0  }
0x36: {  	[tilespmem:$0x3CD0] =	vst v0  }
0x37: {  	[tilespmem:$0x3CE0] =	vst v0  }
0x38: {  	[tilespmem:$0x3CF0] =	vst v0  }
0x39: {  	[tilespmem:$0x3D00] =	vst v0  }
0x3a: {  	[tilespmem:$0x3D10] =	vst v0  }
0x3b: {  	[tilespmem:$0x3D20] =	vst v0  }
0x3c: {  	[tilespmem:$0x3D30] =	vst v0  }
0x3d: {  	[tilespmem:$0x3D40] =	vst v0  }
0x3e: {  	[tilespmem:$0x3D50] =	vst v0  }
0x3f: {  	[tilespmem:$0x3D60] =	vst v0  }
0x40: {  	[tilespmem:$0x3D70] =	vst v0  }
0x41: {  	[tilespmem:$0x3D80] =	vst v0  }
0x42: {  	[tilespmem:$0x3D90] =	vst v0  }
0x43: {  	[tilespmem:$0x3DA0] =	vst v0  }
0x44: {  	[tilespmem:$0x3DB0] =	vst v0  }
0x45: {  	[tilespmem:$0x3DC0] =	vst v0  }
0x46: {  	[tilespmem:$0x3DD0] =	vst v0  }
0x47: {  	[tilespmem:$0x3DE0] =	vst v0  }
0x48: {  	[tilespmem:$0x3DF0] =	vst v0  }
0x49: {  	[tilespmem:$0x3E00] =	vst v0  }
0x4a: {  	[tilespmem:$0x3E10] =	vst v0  }
0x4b: {  	[tilespmem:$0x3E20] =	vst v0  }
.Ltmp0:
0x4c: {  	[tilespmem:$0x3E30] =	vst v0;
	(pc) =	sbr.rel @p1 .LBB2_5-.Ltmp0, $4  }
0x4d: {  	[tilespmem:$0x3E40] =	vst v0  }
0x4e: {  	[tilespmem:$0x3E50] =	vst v0  }
0x4f: {  	[tilespmem:$0x3E60] =	vst v0  }
0x50: {  	[tilespmem:$0x3E70] =	vst v0  }
0x51: {  	v3 =	vor.u32 s5, v1  }
0x52: {  	v4 =	vmulhi.u32 $0x88888889, v3;
	_ =	sdelay $0x1  }
0x53: {  	v4 =	vshrl.u32 v4, $0x7  }
0x54: {  	s24 =	simm.s32 $0x10;
	s23 =	simm.s32 $0x0;
	v4 =	vmul.u32 $0xF0, v4  }
.LBB2_3:
0x55: {  	p2 =	sne.s32 s24, $0x770  }
.Ltmp1:
0x56: {  	s25 =	smov.u32 s24;
	v4 =	vsub.s32 v3, v4;
	v3 =	vor.u32 s24, v1;
	s24 =	sadd.s32 $0x10, s24;
	(pc) =	sbr.rel @p2 .LBB2_3-.Ltmp1, $4  }
0x57: {  	s26 =	sand.u32 $0x7F0, s23;
	s23 =	smov.u32 s25;
	v5 =	vmulhi.u32 $0x88888889, v3;
	v4 =	vadd.s32 $0x2710, v4  }
0x58: {  	[tilespmem:s26+$0x2080] =	vst v4  }
0x59: {  	v5 =	vshrl.u32 v5, $0x7;
	[tilespmem:s26+$0xC80] =	vst v4  }
0x5a: {  	v4 =	vmul.u32 $0xF0, v5  }
0x5b: {  	_ = 	snop  }
0x5c: {  	v3 =	vsub.s32 v3, v4  }
0x5d: {  	s23 =	sand.u32 $0x7F0, s23;
	v3 =	vadd.s32 $0x2710, v3  }
0x5e: {  	[tilespmem:s23+$0x2080] =	vst v3  }
0x5f: {  	[tilespmem:s23+$0xC80] =	vst v3  }
.LBB2_5:
0x60: {  	[spmem:s10] =	stream.linear.scatter [tilespmem:s15], [sflag:$0x1], $0x280, $0x38;
	[tilespmem:$0x4600] =	vst v63  }
0x61: {  	_ = 	snop  }
0x62: {  	[spmem:s11] =	stream.linear.scatter [tilespmem:s15], [sflag:$0x1], $0x280, $0x38;
	[tilespmem:$0x4600] =	vst v63  }
0x63: {  	_ =	swait.ge [sflag:s16], $0x280  }
0x64: {  	[sflag:s16] =	ssyncset.done $0x0  }
0x65: {  	[sflag:s16] =	ssyncadd.s32 $0xFFFFFD80  }
0x66: {  	_ =	swait.ge [sflag:s16], $0x280  }
0x67: {  	[sflag:s16] =	ssyncset.done $0x0  }
0x68: {  	[sflag:s16] =	ssyncadd.s32 $0xFFFFFD80  }
0x69: {  	_ =	swait.ge [sflag:s16], $0x1400  }
0x6a: {  	[sflag:s16] =	ssyncset.done $0x0  }
0x6b: {  	[sflag:s16] =	ssyncadd.s32 $0xFFFFEC00  }
0x6c: {  	s23 =	simm.s32 $0x0;
	[bflag:$0x0] =	sbarrier.arrive $0xFFFF  }
0x6d: {  	[spmem:s3] =	stream.indirect.scatter.add.f32 [tilespmem:s14], [sflag:$0x2], $0x1, s23, s17, $0xb8;
	[tilespmem:$0x4600] =	vst v63  }
0x6e: {  	_ =	swait.ge [sflag:s18], $0x1400  }
0x6f: {  	[sflag:s18] =	ssyncset.done $0x0  }
0x70: {  	[sflag:s18] =	ssyncadd.s32 $0xFFFFEC00  }
0x71: {  	[bflag:$0x0] =	sbarrier.arrive $0xFFFF  }
0x72: {  	[tilespmem:s15], [sflag:$0x2] =	stream.linear.gather [spmem:s10], $0x280, $0x38;
	[tilespmem:$0x4600] =	vst v63  }
0x73: {  	_ =	swait.ge [sflag:s18], $0x280  }
0x74: {  	[sflag:s18] =	ssyncset.done $0x0  }
0x75: {  	s24 =	simm.s32 $0x40;
	s23 =	simm.s32 $0x0;
	[sflag:s18] =	ssyncadd.s32 $0xFFFFFD80  }
.LBB2_6:
0x76: {  	p2 =	sne.s32 s24, $0x9C0;
	v3 =	vld [tilespmem:s23+$0x3C00];
	_ =	sdelay $0x4  }
0x77: {  	v4 =	vmul.f32 $1.525878910e-05, v3  }
0x78: {  	vm0 =	vge.f32 v3, $6.553600000e+04  }
0x79: {  	v4 =	vsel vm0, v4, v3  }
0x7a: {  	v5 =	vmul.f32 $3.906250000e-03, v4  }
0x7b: {  	vm1 =	vge.f32 v4, $2.560000000e+02  }
0x7c: {  	v4 =	vsel vm1, v5, v4  }
0x7d: {  	v5 =	vmul.f32 $6.250000000e-02, v4  }
0x7e: {  	vm2 =	vge.f32 v4, $1.600000000e+01  }
0x7f: {  	v4 =	vsel vm2, v5, v4  }
0x80: {  	v5 =	vmul.f32 $2.500000000e-01, v4;
	_ =	sdelay $0x1  }
0x81: {  	v5 =	vadd.f32 $9.700000280e-01, v5;
	_ =	sdelay $0x1  }
0x82: {  	(erf) = vrcp.f32 v5;
	_ =	sdelay $0x8  }
0x83: {  	v6 =	vpop (erf)  }
0x84: {  	v6 =	vmul.f32 v6, v4;
	_ =	sdelay $0x1  }
0x85: {  	v5 =	vadd.f32 v6, v5;
	_ =	sdelay $0x1  }
0x86: {  	v5 =	vmul.f32 $5.000000000e-01, v5;
	_ =	sdelay $0x1  }
0x87: {  	(erf) = vrcp.f32 v5;
	_ =	sdelay $0x8  }
0x88: {  	v6 =	vpop (erf)  }
0x89: {  	v6 =	vmul.f32 v6, v4;
	_ =	sdelay $0x1  }
0x8a: {  	v5 =	vadd.f32 v6, v5;
	_ =	sdelay $0x1  }
0x8b: {  	v5 =	vmul.f32 $5.000000000e-01, v5;
	_ =	sdelay $0x1  }
0x8c: {  	(erf) = vrcp.f32 v5;
	_ =	sdelay $0x8  }
0x8d: {  	v6 =	vpop (erf)  }
0x8e: {  	v6 =	vmul.f32 v6, v4;
	_ =	sdelay $0x1  }
0x8f: {  	v5 =	vadd.f32 v6, v5;
	_ =	sdelay $0x1  }
0x90: {  	v5 =	vmul.f32 $5.000000000e-01, v5;
	_ =	sdelay $0x1  }
0x91: {  	(erf) = vrcp.f32 v5;
	_ =	sdelay $0x8  }
0x92: {  	v6 =	vpop (erf)  }
0x93: {  	v4 =	vmul.f32 v6, v4;
	_ =	sdelay $0x1  }
0x94: {  	v4 =	vadd.f32 v4, v5;
	_ =	sdelay $0x1  }
0x95: {  	v4 =	vmul.f32 $5.000000000e-01, v4;
	_ =	sdelay $0x1  }
0x96: {  	(erf) = vrcp.f32 v4;
	_ =	sdelay $0x4  }
0x97: {  	v5 =	vsel vm1, $0x3D800000, v2;
	v4 =	vsel vm0, $0x3B800000, v2  }
0x98: {  	v4 =	vmul.f32 v5, v4  }
0x99: {  	v6 =	vsel vm2, $0x3E800000, v2  }
0x9a: {  	v4 =	vmul.f32 v6, v4  }
.Ltmp2:
0x9b: {  	v5 =	vpop (erf);
	(pc) =	sbr.rel @p2 .LBB2_6-.Ltmp2, $4  }
0x9c: {  	v4 =	vmul.f32 v5, v4  }
0x9d: {  	vm0 =	vgt.f32 v3, $5.000000000e-01  }
0x9e: {  	v3 =	vnsel vm0, $0x0, v4  }
0x9f: {  	[tilespmem:s23+$0x3C00] =	vst v3;
	s23 =	sshra.s32 s24, $0x2;
	s24 =	sadd.s32 $0x40, s24  }
0xa0: {  	v3 =	vld [tilespmem:s23+$0x3C00];
	_ =	sdelay $0x4  }
0xa1: {  	v4 =	vmul.f32 $1.525878910e-05, v3  }
0xa2: {  	vm0 =	vge.f32 v3, $6.553600000e+04  }
0xa3: {  	v4 =	vsel vm0, v4, v3  }
0xa4: {  	v5 =	vmul.f32 $3.906250000e-03, v4  }
0xa5: {  	vm1 =	vge.f32 v4, $2.560000000e+02  }
0xa6: {  	v4 =	vsel vm1, v5, v4  }
0xa7: {  	v5 =	vmul.f32 $6.250000000e-02, v4  }
0xa8: {  	vm2 =	vge.f32 v4, $1.600000000e+01  }
0xa9: {  	v4 =	vsel vm2, v5, v4  }
0xaa: {  	v5 =	vmul.f32 $2.500000000e-01, v4;
	_ =	sdelay $0x1  }
0xab: {  	v5 =	vadd.f32 $9.700000280e-01, v5;
	_ =	sdelay $0x1  }
0xac: {  	(erf) = vrcp.f32 v5;
	_ =	sdelay $0x8  }
0xad: {  	v6 =	vpop (erf)  }
0xae: {  	v6 =	vmul.f32 v6, v4;
	_ =	sdelay $0x1  }
0xaf: {  	v5 =	vadd.f32 v6, v5;
	_ =	sdelay $0x1  }
0xb0: {  	v5 =	vmul.f32 $5.000000000e-01, v5;
	_ =	sdelay $0x1  }
0xb1: {  	(erf) = vrcp.f32 v5;
	_ =	sdelay $0x8  }
0xb2: {  	v61 =	vpop (erf)  }
0xb3: {  	v6 =	vmul.f32 v61, v4;
	_ =	sdelay $0x1  }
0xb4: {  	v5 =	vadd.f32 v6, v5;
	_ =	sdelay $0x1  }
0xb5: {  	v5 =	vmul.f32 $5.000000000e-01, v5;
	_ =	sdelay $0x1  }
0xb6: {  	(erf) = vrcp.f32 v5;
	_ =	sdelay $0x8  }
0xb7: {  	v62 =	vpop (erf)  }
0xb8: {  	v6 =	vmul.f32 v62, v4;
	_ =	sdelay $0x1  }
0xb9: {  	v5 =	vadd.f32 v6, v5;
	_ =	sdelay $0x1  }
0xba: {  	v5 =	vmul.f32 $5.000000000e-01, v5;
	_ =	sdelay $0x1  }
0xbb: {  	(erf) = vrcp.f32 v5;
	_ =	sdelay $0x8  }
0xbc: {  	v63 =	vpop (erf)  }
0xbd: {  	v4 =	vmul.f32 v63, v4;
	_ =	sdelay $0x1  }
0xbe: {  	v4 =	vadd.f32 v4, v5;
	_ =	sdelay $0x1  }
0xbf: {  	v4 =	vmul.f32 $5.000000000e-01, v4;
	_ =	sdelay $0x1  }
0xc0: {  	(erf) = vrcp.f32 v4;
	_ =	sdelay $0x4  }
0xc1: {  	v5 =	vsel vm1, $0x3D800000, v2;
	v4 =	vsel vm0, $0x3B800000, v2  }
0xc2: {  	v4 =	vmul.f32 v5, v4;
	v5 =	vsel vm2, $0x3E800000, v2;
	_ =	sdelay $0x1  }
0xc3: {  	v4 =	vmul.f32 v5, v4  }
0xc4: {  	v5 =	vpop (erf)  }
0xc5: {  	v4 =	vmul.f32 v5, v4  }
0xc6: {  	vm15 =	vgt.f32 v3, $5.000000000e-01  }
0xc7: {  	v3 =	vnsel vm15, $0x0, v4  }
0xc8: {  	[tilespmem:s23+$0x3C00] =	vst v3  }
0xc9: {  	[spmem:s10] =	stream.linear.scatter [tilespmem:s15], [sflag:$0x2], $0x280, $0x38;
	[tilespmem:$0x4600] =	vst v63  }
0xca: {  	_ =	swait.ge [sflag:s18], $0x280  }
0xcb: {  	[sflag:s18] =	ssyncset.done $0x0  }
0xcc: {  	[sflag:s18] =	ssyncadd.s32 $0xFFFFFD80  }
0xcd: {  	[bflag:$0x0] =	sbarrier.arrive $0xFFFF  }
0xce: {  	[tilespmem:s14], [sflag:$0x2] =	stream.indirect.gather [spmem:s3], $0x1, s17, s17, $0xb8;
	[tilespmem:$0x4600] =	vst v63  }
0xcf: {  	_ =	swait.ge [sflag:s18], $0x1400  }
0xd0: {  	[sflag:s18] =	ssyncset.done $0x0  }
0xd1: {  	s31 =	simm.s32 $0x0;
	[sflag:s18] =	ssyncadd.s32 $0xFFFFEC00  }
0xd2: {  	[spmem:s4] =	stream.indirect.scatter.add.f32 [tilespmem:s14], [sflag:$0x2], $0x1, s31, s17, $0xb8;
	[tilespmem:$0x4600] =	vst v63  }
0xd3: {  	_ =	swait.ge [sflag:s18], $0x1400  }
0xd4: {  	[sflag:s18] =	ssyncset.done $0x0  }
0xd5: {  	[sflag:s18] =	ssyncadd.s32 $0xFFFFEC00  }
0xd6: {  	[bflag:$0x0] =	sbarrier.arrive $0xFFFF  }
0xd7: {  	[tilespmem:s15], [sflag:$0x1] =	stream.linear.gather [spmem:s10], $0x280, $0x38;
	[tilespmem:$0x4600] =	vst v63  }
0xd8: {  	_ = 	snop  }
0xd9: {  	[tilespmem:s19], [sflag:$0x1] =	stream.linear.gather [spmem:s11], $0x280, $0x38;
	[tilespmem:$0x4600] =	vst v63  }
0xda: {  	_ =	swait.ge [sflag:s16], $0x280  }
0xdb: {  	[sflag:s16] =	ssyncset.done $0x0  }
0xdc: {  	[sflag:s16] =	ssyncadd.s32 $0xFFFFFD80  }
0xdd: {  	_ =	swait.ge [sflag:s16], $0x280  }
0xde: {  	[sflag:s16] =	ssyncset.done $0x0  }
0xdf: {  	s23 =	simm.s32 $0x0;
	[sflag:s16] =	ssyncadd.s32 $0xFFFFFD80  }
0xe0: {  	s24 =	simm.s32 $0x40;
	v3 =	vld [tilespmem:s23+$0x3E80]  }
.LBB2_8:
0xe1: {  	p2 =	sne.s32 s24, $0x9C0;
	v4 =	vld [tilespmem:s23+$0x3C00];
	_ =	sdelay $0x2  }
.Ltmp3:
0xe2: {  	(pc) =	sbr.rel @p2 .LBB2_8-.Ltmp3, $4  }
0xe3: {  	_ = 	snop  }
0xe4: {  	v4 =	vmul.f32 v3, v4  }
0xe5: {  	s25 =	sshra.s32 s24, $0x2  }
0xe6: {  	s24 =	sadd.s32 $0x40, s24;
	v3 =	vld [tilespmem:s25+$0x3E80];
	[tilespmem:s23+$0x3C00] =	vst v4;
	s23 =	smov.u32 s25  }
0xe7: {  	v4 =	vld [tilespmem:s23+$0x3C00];
	_ =	sdelay $0x4  }
0xe8: {  	s22 =	sadd.s32 $0x1, s22;
	v3 =	vmul.f32 v3, v4  }
0xe9: {  	p2 =	sne.s32 s22, s13  }
.Ltmp4:
0xea: {  	[tilespmem:s23+$0x3C00] =	vst v3;
	(pc) =	sbr.rel @p2 .LBB2_1-.Ltmp4, $4  }
0xeb: {  	[hbm4b:s12+s20] =	stream.strided.scatter [tilespmem:s15], [sflag:$0x2], $0x280, s21, s20, $0x38;
	[tilespmem:$0x4600] =	vst v63  }
0xec: {  	_ =	swait.ge [sflag:s18], $0x280  }
0xed: {  	[sflag:s18] =	ssyncset.done $0x0  }
0xee: {  	[sflag:s18] =	ssyncadd.s32 $0xFFFFFD80  }
0xef: {  	_ =	sfence.sel $0x180000  }
0xf0: {  	[bflag:$0x0] =	sbarrier.arrive $0xFFFF  }
0xf1: {  	p0 =	sne.s32 s0, $0x0;
	_ =	strace $0x90000047  }
0xf2: {  	s0 =	sadd.s32 @!p0 $0x100000, s2;
	[bflag:$0x2] =	sbarrier.arrive $0xFFFF  }
0xf3: {  	[sflag:s0] =	ssyncadd.tile.s32 @!p0 $0x1;
	_ =	shalt  }
.Lfunc_end2:
_tile_overlayer_lowered:
.L_overlay_start_2:
0xf4: {  	(tag) =	ssettag $0x2  }
0xf5: {  	s0 =	rddreg [dreg:$0x0];
	s2 =	stileid.u32  }
0xf6: {  	s1 =	rddreg [dreg:$0x1];
	p0 =	sne.s32 s2, $0x0  }
0xf7: {  	s3 =	rddreg [dreg:$0x2];
	[bflag:$0x3] =	sbarrier.arrive $0xFFFF;
	s2 =	simm.s32 @!p0 $0x1C02  }
0xf8: {  	[timem:s3], [sflag:s2] =	dma.local @!p0 [hbm:s0], s1  }
0xf9: {  	s0 =	simm.s32 @!p0 $0x2  }
0xfa: {  	_ =	swait.ge @!p0 [sflag:s0], s1  }
0xfb: {  	s1 =	ssub.s32 @!p0 $0x0, s1;
	[sflag:s0] =	ssyncset.done @!p0 $0x0  }
0xfc: {  	[sflag:s0] =	ssyncadd.s32 @!p0 s1  }
0xfd: {  	[bflag:$0x3] =	sbarrier.arrive $0xFFFF  }
0xfe: {  	_ =	shalt  }

</sc_bundles>
